<compile_context>
chip_gen: v7x
topology: tpu7x:2x2x1
jax: 0.10.2.dev20260603
libtpu: 0.0.44.dev20260713+nightly
codegen_flags: <defaults>
</compile_context>

<pallas_src>
import functools

import jax
import jax.numpy as jnp
from jax import lax
from jax.experimental import pallas as pl
from jax.experimental.pallas import tpu as pltpu
from jax.experimental.pallas import tpu_sc as plsc

_N = 10000
_E = 320000
_DIN = 128
_DH = 64
_DOUT = 128
_EPS = 1e-5

_NC = 2
_NS = 16
_NW = _NC * _NS
_CW = 128
_NCH = 80
_EPT = _NCH * _CW
_EPW = _E // _NW
_NBUF = 5
_NP = 10240
_RPS = _NP // _NS

_mesh = plsc.VectorSubcoreMesh(
    core_axis_name="c", subcore_axis_name="s", num_cores=_NC, num_subcores=_NS
)
_sc_params = pltpu.CompilerParams(
    use_tc_tiling_on_sc=False, needs_layout_passes=False
)


@functools.partial(
    pl.kernel,
    out_type=jax.ShapeDtypeStruct((_NC, _NP), jnp.float32),
    mesh=_mesh,
    compiler_params=_sc_params,
    scratch_types=[
        pltpu.VMEM((_NCH, _CW), jnp.int32),
        pltpu.VMEM((_CW,), jnp.float32),
        pltpu.VMEM_SHARED((_NP,), jnp.float32),
    ] + [pltpu.SemaphoreType.DMA] * _NBUF,
)
def _deg_pass(dst_hbm, z1_hbm, deg_out, didx2, ones_v, deg_sh, *sems):
    cid = lax.axis_index("c")
    sid = lax.axis_index("s")
    wid = sid * _NC + cid
    r0 = sid * _RPS
    pltpu.sync_copy(z1_hbm.at[pl.ds(r0, _RPS)], deg_sh.at[pl.ds(r0, _RPS)])
    pltpu.sync_copy(dst_hbm.at[wid], didx2)
    for k in range(_CW // 16):
        ones_v[pl.ds(k * 16, 16)] = jnp.full((16,), 1.0, jnp.float32)
    plsc.subcore_barrier()

    def body(it, carry):
        @pl.when(it > 0)
        def _():
            for k in range(_NBUF):
                pltpu.make_async_copy(ones_v, deg_sh.at[didx2.at[0]], sems[k]).wait()

        for k in range(_NBUF):
            j = it * _NBUF + k
            pltpu.async_copy(ones_v, deg_sh.at[didx2.at[j]], sems[k], add=True)
        return carry

    lax.fori_loop(0, _NCH // _NBUF, body, 0)
    for k in range(_NBUF):
        pltpu.make_async_copy(ones_v, deg_sh.at[didx2.at[0]], sems[k]).wait()
    plsc.subcore_barrier()
    pltpu.sync_copy(deg_sh.at[pl.ds(r0, _RPS)], deg_out.at[cid, pl.ds(r0, _RPS)])


def _prep_body(x_ref, w1_ref, degp_ref, g_ref, dis_ref):
    h = jnp.dot(x_ref[...], w1_ref[...], preferred_element_type=jnp.float32)
    deg = degp_ref[0] + degp_ref[1] + 1.0
    dis = lax.rsqrt(deg)
    g_ref[...] = h * dis
    dis_ref[...] = dis


_prep_call = pl.pallas_call(
    _prep_body,
    out_shape=(
        jax.ShapeDtypeStruct((_NP, _DH), jnp.float32),
        jax.ShapeDtypeStruct((_NP, 1), jnp.float32),
    ),
)


@functools.partial(
    pl.kernel,
    out_type=(
        jax.ShapeDtypeStruct((_NC, _NP, _DH), jnp.float32),
        jax.ShapeDtypeStruct((_NC, _NP), jnp.float32),
    ),
    mesh=_mesh,
    compiler_params=_sc_params,
    scratch_types=[
        pltpu.VMEM((_NCH, _CW), jnp.int32),
        pltpu.VMEM((_NCH, _CW), jnp.int32),
        pltpu.VMEM((_NP,), jnp.float32),
    ]
    + [pltpu.VMEM((_CW, _DH), jnp.float32)] * _NBUF
    + [pltpu.VMEM((_CW,), jnp.float32)] * _NBUF
    + [
        pltpu.VMEM_SHARED((_NP, _DH), jnp.float32),
        pltpu.VMEM_SHARED((_NP,), jnp.float32),
    ]
    + [pltpu.SemaphoreType.DMA] * (3 * _NBUF),
)
def _edge_pass(src_hbm, dst_hbm, g_hbm, dis_hbm, z2_hbm, z1_hbm,
               acc_out, s_out, sidx2, didx2, dis_l, *bufs):
    grow = bufs[:_NBUF]
    dval = bufs[_NBUF:2 * _NBUF]
    acc_sh = bufs[2 * _NBUF]
    s_sh = bufs[2 * _NBUF + 1]
    gsem = bufs[2 * _NBUF + 2: 3 * _NBUF + 2]
    ssem = bufs[3 * _NBUF + 2: 4 * _NBUF + 2]
    tsem = bufs[4 * _NBUF + 2: 5 * _NBUF + 2]

    cid = lax.axis_index("c")
    sid = lax.axis_index("s")
    wid = sid * _NC + cid
    r0 = sid * _RPS
    pltpu.sync_copy(z2_hbm.at[pl.ds(r0, _RPS)], acc_sh.at[pl.ds(r0, _RPS)])
    pltpu.sync_copy(z1_hbm.at[pl.ds(r0, _RPS)], s_sh.at[pl.ds(r0, _RPS)])
    pltpu.sync_copy(src_hbm.at[wid], sidx2)
    pltpu.sync_copy(dst_hbm.at[wid], didx2)
    pltpu.sync_copy(dis_hbm, dis_l)
    plsc.subcore_barrier()

    def body(it, carry):
        for k in range(_NBUF):
            j = it * _NBUF + k

            @pl.when(it > 0)
            def _():
                pltpu.make_async_copy(grow[k], acc_sh.at[didx2.at[0]], ssem[k]).wait()
                pltpu.make_async_copy(dval[k], s_sh.at[sidx2.at[0]], tsem[k]).wait()

            pltpu.async_copy(g_hbm.at[sidx2.at[j]], grow[k], gsem[k])
            for l in range(_CW // 16):
                ids = didx2[j, pl.ds(l * 16, 16)]
                dval[k][pl.ds(l * 16, 16)] = plsc.load_gather(dis_l, [ids])
            pltpu.async_copy(dval[k], s_sh.at[sidx2.at[j]], tsem[k], add=True)

            kp = (k - 1) % _NBUF
            if k == 0:
                @pl.when(it > 0)
                def _():
                    jp = it * _NBUF - 1
                    pltpu.make_async_copy(g_hbm.at[sidx2.at[jp]], grow[kp], gsem[kp]).wait()
                    pltpu.async_copy(grow[kp], acc_sh.at[didx2.at[jp]], ssem[kp], add=True)
            else:
                jp = j - 1
                pltpu.make_async_copy(g_hbm.at[sidx2.at[jp]], grow[kp], gsem[kp]).wait()
                pltpu.async_copy(grow[kp], acc_sh.at[didx2.at[jp]], ssem[kp], add=True)
        return carry

    lax.fori_loop(0, _NCH // _NBUF, body, 0)
    kl = _NBUF - 1
    pltpu.make_async_copy(g_hbm.at[sidx2.at[_NCH - 1]], grow[kl], gsem[kl]).wait()
    pltpu.async_copy(grow[kl], acc_sh.at[didx2.at[_NCH - 1]], ssem[kl], add=True)
    for k in range(_NBUF):
        pltpu.make_async_copy(grow[k], acc_sh.at[didx2.at[0]], ssem[k]).wait()
        pltpu.make_async_copy(dval[k], s_sh.at[sidx2.at[0]], tsem[k]).wait()
    plsc.subcore_barrier()
    pltpu.sync_copy(acc_sh.at[pl.ds(r0, _RPS)], acc_out.at[cid, pl.ds(r0, _RPS)])
    pltpu.sync_copy(s_sh.at[pl.ds(r0, _RPS)], s_out.at[cid, pl.ds(r0, _RPS)])


def _fin_body(accp_ref, sp_ref, g_ref, dis_ref, b1_ref, ga1_ref, be1_ref,
              w2_ref, b2_ref, ga2_ref, be2_ref, out_ref):
    dis = dis_ref[...]
    acc = accp_ref[0] + accp_ref[1] + g_ref[...]
    out1 = acc * dis + b1_ref[...]
    bnscale1 = ga1_ref[...] * lax.rsqrt(jnp.float32(1.0 + _EPS))
    h1a = jnp.maximum(out1 * bnscale1 + be1_ref[...], 0.0)
    s = sp_ref[0] + sp_ref[1]
    c = dis * (s + dis)
    rows = lax.broadcasted_iota(jnp.int32, (_NP, 1), 0)
    c = jnp.where(rows < _N, c, 0.0)
    v = jnp.sum(h1a * c, axis=0, keepdims=True) * (1.0 / _N)
    o = jnp.dot(v, w2_ref[...], preferred_element_type=jnp.float32) + b2_ref[...]
    bnscale2 = ga2_ref[...] * lax.rsqrt(jnp.float32(1.0 + _EPS))
    out_ref[...] = o * bnscale2 + be2_ref[...]


_fin_call = pl.pallas_call(
    _fin_body,
    out_shape=jax.ShapeDtypeStruct((1, _DOUT), jnp.float32),
)


def kernel(x, edge_index, W1, b1, gamma1, beta1, W2, b2, gamma2, beta2):
    src = edge_index[0]
    dst = edge_index[1]
    dummy = _N + jnp.arange(_NW, dtype=jnp.int32)
    padblk = jnp.broadcast_to(dummy[:, None], (_NW, _EPT - _EPW))
    srcp = jnp.concatenate([src.reshape(_NW, _EPW), padblk], axis=1)
    dstp = jnp.concatenate([dst.reshape(_NW, _EPW), padblk], axis=1)
    srcp = srcp.reshape(_NW, _NCH, _CW)
    dstp = dstp.reshape(_NW, _NCH, _CW)
    xp = jnp.pad(x, ((0, _NP - _N), (0, 0)))
    z1 = jnp.zeros((_NP,), jnp.float32)
    z2 = jnp.zeros((_NP, _DH), jnp.float32)

    degp = _deg_pass(dstp, z1)
    g, dis = _prep_call(xp, W1, degp.reshape(_NC, _NP, 1))
    accp, sp = _edge_pass(srcp, dstp, g, dis.reshape(_NP), z2, z1)
    out = _fin_call(accp, sp.reshape(_NC, _NP, 1), g, dis,
                    b1, gamma1, beta1, W2, b2, gamma2, beta2)
    return out

# --- scband reference (transcript-rebuilt; emitter-appended) ---
"""Pipeline reference for scband-service-gcn-67224828117292 (READ-ONLY COPY).

The authoritative reference and input builder live on the scoring server;
editing this copy changes nothing except your own understanding.
"""

import jax, jax.numpy as jnp
import numpy as np

N = 10000
E = 320000
D_IN = 128
D_H = 64
D_OUT = 128
BN_EPS = 1e-5


def setup_inputs(seed: int = 0) -> dict:
    key = jax.random.key(seed)
    ks = jax.random.split(key, 10)
    x = jax.random.normal(ks[0], (N, D_IN), dtype=jnp.float32)
    edge_index = jax.random.randint(ks[1], (2, E), 0, N, dtype=jnp.int32)
    # GCNConv layer 1: Linear(D_IN, D_H, bias=False) weight + post-agg bias (glorot-ish init)
    W1 = jax.random.normal(ks[2], (D_IN, D_H), dtype=jnp.float32) * (1.0 / np.sqrt(D_IN))
    b1 = jnp.zeros((D_H,), dtype=jnp.float32)
    gamma1 = jnp.ones((D_H,), dtype=jnp.float32)
    beta1 = jnp.zeros((D_H,), dtype=jnp.float32)
    # GCNConv layer 2
    W2 = jax.random.normal(ks[3], (D_H, D_OUT), dtype=jnp.float32) * (1.0 / np.sqrt(D_H))
    b2 = jnp.zeros((D_OUT,), dtype=jnp.float32)
    gamma2 = jnp.ones((D_OUT,), dtype=jnp.float32)
    beta2 = jnp.zeros((D_OUT,), dtype=jnp.float32)
    return {"x": x, "edge_index": edge_index, "W1": W1, "b1": b1, "gamma1": gamma1,
            "beta1": beta1, "W2": W2, "b2": b2, "gamma2": gamma2, "beta2": beta2}


def _gcn_conv(x, edge_index, W, b):
    # PyG GCNConv defaults: add_self_loops=True, normalize=True (sym D^-1/2 (A+I) D^-1/2)
    src = edge_index[0]
    dst = edge_index[1]
    loop = jnp.arange(N, dtype=src.dtype)
    src = jnp.concatenate([src, loop])
    dst = jnp.concatenate([dst, loop])
    deg = jnp.zeros((N,), dtype=x.dtype).at[dst].add(1.0)
    dis = jnp.where(deg > 0, 1.0 / jnp.sqrt(deg), 0.0)
    norm = dis[src] * dis[dst]
    h = x @ W
    msg = h[src] * norm[:, None]
    out = jnp.zeros((N, h.shape[1]), dtype=x.dtype).at[dst].add(msg)
    return out + b


def _bn_eval(h, gamma, beta):
    # BatchNorm1d in eval mode with fresh running stats (mean=0, var=1)
    return (h - 0.0) / jnp.sqrt(1.0 + BN_EPS) * gamma + beta


def reference(x, edge_index, W1, b1, gamma1, beta1, W2, b2, gamma2, beta2):
    h = _gcn_conv(x, edge_index, W1, b1)
    h = _bn_eval(h, gamma1, beta1)
    h = jax.nn.relu(h)
    # dropout is identity in eval mode
    h = _gcn_conv(h, edge_index, W2, b2)
    h = _bn_eval(h, gamma2, beta2)
    # batch=None path: mean over all nodes, keepdim
    return jnp.mean(h, axis=0, keepdims=True)

if __name__ == "__main__":
    import jax
    _d = setup_inputs()
    print(jax.jit(kernel)(*tuple(_d.values())))

</pallas_src>

<mosaic_0001>
#map = affine_map<(d0, d1) -> (0, 0, 0)>
#map1 = affine_map<(d0, d1) -> (0, 0)>
#map2 = affine_map<(d0, d1) -> (0)>
module attributes {stable_mosaic.version = 14 : i64} {
  func.func @_edge_pass(%arg0: i32, %arg1: i32, %arg2: memref<32x80x128xi32, #tpu.memory_space<hbm>>, %arg3: memref<32x80x128xi32, #tpu.memory_space<hbm>>, %arg4: memref<10240x64xf32, #tpu.memory_space<hbm>>, %arg5: memref<10240xf32, #tpu.memory_space<hbm>>, %arg6: memref<10240x64xf32, #tpu.memory_space<hbm>>, %arg7: memref<10240xf32, #tpu.memory_space<hbm>>, %arg8: memref<2x10240x64xf32, #tpu.memory_space<hbm>>, %arg9: memref<2x10240xf32, #tpu.memory_space<hbm>>, %arg10: memref<80x128xi32, #tpu.memory_space<vmem>>, %arg11: memref<80x128xi32, #tpu.memory_space<vmem>>, %arg12: memref<10240xf32, #tpu.memory_space<vmem>>, %arg13: memref<128x64xf32, #tpu.memory_space<vmem>>, %arg14: memref<128x64xf32, #tpu.memory_space<vmem>>, %arg15: memref<128x64xf32, #tpu.memory_space<vmem>>, %arg16: memref<128x64xf32, #tpu.memory_space<vmem>>, %arg17: memref<128x64xf32, #tpu.memory_space<vmem>>, %arg18: memref<128xf32, #tpu.memory_space<vmem>>, %arg19: memref<128xf32, #tpu.memory_space<vmem>>, %arg20: memref<128xf32, #tpu.memory_space<vmem>>, %arg21: memref<128xf32, #tpu.memory_space<vmem>>, %arg22: memref<128xf32, #tpu.memory_space<vmem>>, %arg23: memref<10240x64xf32, #tpu.memory_space<vmem_shared>>, %arg24: memref<10240xf32, #tpu.memory_space<vmem_shared>>, %arg25: memref<!tpu.dma_semaphore, #tpu.memory_space<semaphore_mem>>, %arg26: memref<!tpu.dma_semaphore, #tpu.memory_space<semaphore_mem>>, %arg27: memref<!tpu.dma_semaphore, #tpu.memory_space<semaphore_mem>>, %arg28: memref<!tpu.dma_semaphore, #tpu.memory_space<semaphore_mem>>, %arg29: memref<!tpu.dma_semaphore, #tpu.memory_space<semaphore_mem>>, %arg30: memref<!tpu.dma_semaphore, #tpu.memory_space<semaphore_mem>>, %arg31: memref<!tpu.dma_semaphore, #tpu.memory_space<semaphore_mem>>, %arg32: memref<!tpu.dma_semaphore, #tpu.memory_space<semaphore_mem>>, %arg33: memref<!tpu.dma_semaphore, #tpu.memory_space<semaphore_mem>>, %arg34: memref<!tpu.dma_semaphore, #tpu.memory_space<semaphore_mem>>, %arg35: memref<!tpu.dma_semaphore, #tpu.memory_space<semaphore_mem>>, %arg36: memref<!tpu.dma_semaphore, #tpu.memory_space<semaphore_mem>>, %arg37: memref<!tpu.dma_semaphore, #tpu.memory_space<semaphore_mem>>, %arg38: memref<!tpu.dma_semaphore, #tpu.memory_space<semaphore_mem>>, %arg39: memref<!tpu.dma_semaphore, #tpu.memory_space<semaphore_mem>>) attributes {dimension_semantics = [#tpu.dimension_semantics<core_parallel>, #tpu.dimension_semantics<subcore_parallel>], iteration_bounds = array<i64: 2, 16>, scalar_prefetch = 0 : i64, scratch_operands = 30 : i64, tpu.core_type = #tpu.core_type<sc_vector_subcore>, window_params = [{transform_indices = #map}, {transform_indices = #map}, {transform_indices = #map1}, {transform_indices = #map2}, {transform_indices = #map1}, {transform_indices = #map2}, {transform_indices = #map}, {transform_indices = #map1}]} {
    %mul3A = arith.constant 2 : i32
    %mul3A_0 = arith.muli %arg1, %mul3A : i32
    %add3A = arith.addi %mul3A_0, %arg0 : i32
    %mul3A_1 = arith.constant 640 : i32
    %mul3A_2 = arith.muli %arg1, %mul3A_1 : i32
    "tpu.region"() ({
      %run_scoped3A = tpu.sem_alloc : memref<!tpu.dma_semaphore, #tpu.memory_space<semaphore_mem>>
      %dma_start3A_86 = arith.constant 0 : i32
      %dma_start3A_87 = tpu.memref_slice %arg23[%mul3A_2, %dma_start3A_86] : memref<10240x64xf32, #tpu.memory_space<vmem_shared>> -> memref<640x64xf32, #tpu.memory_space<vmem_shared>>
      %dma_start3A_88 = arith.constant 0 : i32
      %dma_start3A_89 = tpu.memref_slice %arg6[%mul3A_2, %dma_start3A_88] : memref<10240x64xf32, #tpu.memory_space<hbm>> -> memref<640x64xf32, #tpu.memory_space<hbm>>
      tpu.enqueue_dma source(%dma_start3A_89 : memref<640x64xf32, #tpu.memory_space<hbm>>) target(%dma_start3A_87 : memref<640x64xf32, #tpu.memory_space<vmem_shared>>) target_semaphore(%run_scoped3A : memref<!tpu.dma_semaphore, #tpu.memory_space<semaphore_mem>>)
      %dma_wait3A_90 = arith.constant 0 : i32
      %dma_wait3A_91 = tpu.memref_slice %arg23[%mul3A_2, %dma_wait3A_90] : memref<10240x64xf32, #tpu.memory_space<vmem_shared>> -> memref<640x64xf32, #tpu.memory_space<vmem_shared>>
      %dma_wait3A_92 = arith.constant 0 : i32
      %dma_wait3A_93 = tpu.memref_slice %arg6[%mul3A_2, %dma_wait3A_92] : memref<10240x64xf32, #tpu.memory_space<hbm>> -> memref<640x64xf32, #tpu.memory_space<hbm>>
      tpu.wait_dma2 semaphore(%run_scoped3A : memref<!tpu.dma_semaphore, #tpu.memory_space<semaphore_mem>>) src(%dma_wait3A_93 : memref<640x64xf32, #tpu.memory_space<hbm>>) dst(%dma_wait3A_91 : memref<640x64xf32, #tpu.memory_space<vmem_shared>>)
      tpu.yield
    }) : () -> ()
    "tpu.region"() ({
      %run_scoped3A = tpu.sem_alloc : memref<!tpu.dma_semaphore, #tpu.memory_space<semaphore_mem>>
      %dma_start3A_86 = tpu.memref_slice %arg24[%mul3A_2] : memref<10240xf32, #tpu.memory_space<vmem_shared>> -> memref<640xf32, #tpu.memory_space<vmem_shared>>
      %dma_start3A_87 = tpu.memref_slice %arg7[%mul3A_2] : memref<10240xf32, #tpu.memory_space<hbm>> -> memref<640xf32, #tpu.memory_space<hbm>>
      tpu.enqueue_dma source(%dma_start3A_87 : memref<640xf32, #tpu.memory_space<hbm>>) target(%dma_start3A_86 : memref<640xf32, #tpu.memory_space<vmem_shared>>) target_semaphore(%run_scoped3A : memref<!tpu.dma_semaphore, #tpu.memory_space<semaphore_mem>>)
      %dma_wait3A_88 = tpu.memref_slice %arg24[%mul3A_2] : memref<10240xf32, #tpu.memory_space<vmem_shared>> -> memref<640xf32, #tpu.memory_space<vmem_shared>>
      %dma_wait3A_89 = tpu.memref_slice %arg7[%mul3A_2] : memref<10240xf32, #tpu.memory_space<hbm>> -> memref<640xf32, #tpu.memory_space<hbm>>
      tpu.wait_dma2 semaphore(%run_scoped3A : memref<!tpu.dma_semaphore, #tpu.memory_space<semaphore_mem>>) src(%dma_wait3A_89 : memref<640xf32, #tpu.memory_space<hbm>>) dst(%dma_wait3A_88 : memref<640xf32, #tpu.memory_space<vmem_shared>>)
      tpu.yield
    }) : () -> ()
    "tpu.region"() ({
      %run_scoped3A = tpu.sem_alloc : memref<!tpu.dma_semaphore, #tpu.memory_space<semaphore_mem>>
      %dma_start3A_86 = arith.constant 0 : i32
      %dma_start3A_87 = arith.constant 0 : i32
      %dma_start3A_88 = tpu.memref_slice %arg2[%add3A, %dma_start3A_86, %dma_start3A_87] : memref<32x80x128xi32, #tpu.memory_space<hbm>> -> memref<1x80x128xi32, #tpu.memory_space<hbm>>
      %dma_start3A_89 = tpu.memref_squeeze %dma_start3A_88 : memref<1x80x128xi32, #tpu.memory_space<hbm>> -> memref<80x128xi32, #tpu.memory_space<hbm>>
      %dma_start3A_90 = arith.constant 0 : i32
      %dma_start3A_91 = arith.constant 0 : i32
      %dma_start3A_92 = tpu.memref_slice %arg2[%add3A, %dma_start3A_90, %dma_start3A_91] : memref<32x80x128xi32, #tpu.memory_space<hbm>> -> memref<1x80x128xi32, #tpu.memory_space<hbm>>
      %dma_start3A_93 = tpu.memref_squeeze %dma_start3A_92 : memref<1x80x128xi32, #tpu.memory_space<hbm>> -> memref<80x128xi32, #tpu.memory_space<hbm>>
      tpu.enqueue_dma source(%dma_start3A_93 : memref<80x128xi32, #tpu.memory_space<hbm>>) target(%arg10 : memref<80x128xi32, #tpu.memory_space<vmem>>) target_semaphore(%run_scoped3A : memref<!tpu.dma_semaphore, #tpu.memory_space<semaphore_mem>>)
      %dma_wait3A_94 = arith.constant 0 : i32
      %dma_wait3A_95 = arith.constant 0 : i32
      %dma_wait3A_96 = tpu.memref_slice %arg2[%add3A, %dma_wait3A_94, %dma_wait3A_95] : memref<32x80x128xi32, #tpu.memory_space<hbm>> -> memref<1x80x128xi32, #tpu.memory_space<hbm>>
      %dma_wait3A_97 = tpu.memref_squeeze %dma_wait3A_96 : memref<1x80x128xi32, #tpu.memory_space<hbm>> -> memref<80x128xi32, #tpu.memory_space<hbm>>
      %dma_wait3A_98 = arith.constant 0 : i32
      %dma_wait3A_99 = arith.constant 0 : i32
      %dma_wait3A_100 = tpu.memref_slice %arg2[%add3A, %dma_wait3A_98, %dma_wait3A_99] : memref<32x80x128xi32, #tpu.memory_space<hbm>> -> memref<1x80x128xi32, #tpu.memory_space<hbm>>
      %dma_wait3A_101 = tpu.memref_squeeze %dma_wait3A_100 : memref<1x80x128xi32, #tpu.memory_space<hbm>> -> memref<80x128xi32, #tpu.memory_space<hbm>>
      tpu.wait_dma2 semaphore(%run_scoped3A : memref<!tpu.dma_semaphore, #tpu.memory_space<semaphore_mem>>) src(%dma_wait3A_101 : memref<80x128xi32, #tpu.memory_space<hbm>>) dst(%arg10 : memref<80x128xi32, #tpu.memory_space<vmem>>)
      tpu.yield
    }) : () -> ()
    "tpu.region"() ({
      %run_scoped3A = tpu.sem_alloc : memref<!tpu.dma_semaphore, #tpu.memory_space<semaphore_mem>>
      %dma_start3A_86 = arith.constant 0 : i32
      %dma_start3A_87 = arith.constant 0 : i32
      %dma_start3A_88 = tpu.memref_slice %arg3[%add3A, %dma_start3A_86, %dma_start3A_87] : memref<32x80x128xi32, #tpu.memory_space<hbm>> -> memref<1x80x128xi32, #tpu.memory_space<hbm>>
      %dma_start3A_89 = tpu.memref_squeeze %dma_start3A_88 : memref<1x80x128xi32, #tpu.memory_space<hbm>> -> memref<80x128xi32, #tpu.memory_space<hbm>>
      %dma_start3A_90 = arith.constant 0 : i32
      %dma_start3A_91 = arith.constant 0 : i32
      %dma_start3A_92 = tpu.memref_slice %arg3[%add3A, %dma_start3A_90, %dma_start3A_91] : memref<32x80x128xi32, #tpu.memory_space<hbm>> -> memref<1x80x128xi32, #tpu.memory_space<hbm>>
      %dma_start3A_93 = tpu.memref_squeeze %dma_start3A_92 : memref<1x80x128xi32, #tpu.memory_space<hbm>> -> memref<80x128xi32, #tpu.memory_space<hbm>>
      tpu.enqueue_dma source(%dma_start3A_93 : memref<80x128xi32, #tpu.memory_space<hbm>>) target(%arg11 : memref<80x128xi32, #tpu.memory_space<vmem>>) target_semaphore(%run_scoped3A : memref<!tpu.dma_semaphore, #tpu.memory_space<semaphore_mem>>)
      %dma_wait3A_94 = arith.constant 0 : i32
      %dma_wait3A_95 = arith.constant 0 : i32
      %dma_wait3A_96 = tpu.memref_slice %arg3[%add3A, %dma_wait3A_94, %dma_wait3A_95] : memref<32x80x128xi32, #tpu.memory_space<hbm>> -> memref<1x80x128xi32, #tpu.memory_space<hbm>>
      %dma_wait3A_97 = tpu.memref_squeeze %dma_wait3A_96 : memref<1x80x128xi32, #tpu.memory_space<hbm>> -> memref<80x128xi32, #tpu.memory_space<hbm>>
      %dma_wait3A_98 = arith.constant 0 : i32
      %dma_wait3A_99 = arith.constant 0 : i32
      %dma_wait3A_100 = tpu.memref_slice %arg3[%add3A, %dma_wait3A_98, %dma_wait3A_99] : memref<32x80x128xi32, #tpu.memory_space<hbm>> -> memref<1x80x128xi32, #tpu.memory_space<hbm>>
      %dma_wait3A_101 = tpu.memref_squeeze %dma_wait3A_100 : memref<1x80x128xi32, #tpu.memory_space<hbm>> -> memref<80x128xi32, #tpu.memory_space<hbm>>
      tpu.wait_dma2 semaphore(%run_scoped3A : memref<!tpu.dma_semaphore, #tpu.memory_space<semaphore_mem>>) src(%dma_wait3A_101 : memref<80x128xi32, #tpu.memory_space<hbm>>) dst(%arg11 : memref<80x128xi32, #tpu.memory_space<vmem>>)
      tpu.yield
    }) : () -> ()
    "tpu.region"() ({
      %run_scoped3A = tpu.sem_alloc : memref<!tpu.dma_semaphore, #tpu.memory_space<semaphore_mem>>
      tpu.enqueue_dma source(%arg5 : memref<10240xf32, #tpu.memory_space<hbm>>) target(%arg12 : memref<10240xf32, #tpu.memory_space<vmem>>) target_semaphore(%run_scoped3A : memref<!tpu.dma_semaphore, #tpu.memory_space<semaphore_mem>>)
      tpu.wait_dma2 semaphore(%run_scoped3A : memref<!tpu.dma_semaphore, #tpu.memory_space<semaphore_mem>>) src(%arg5 : memref<10240xf32, #tpu.memory_space<hbm>>) dst(%arg12 : memref<10240xf32, #tpu.memory_space<vmem>>)
      tpu.yield
    }) : () -> ()
    %barrier3A = arith.constant 0 : index
    tpu.barrier barrier_id(%barrier3A)
    %scan3A = arith.constant 0 : i32
    %scan3A_3 = arith.constant 0 : i32
    %scan3A_4 = arith.constant 16 : i32
    %scan3A_5 = arith.addi %scan3A_3, %scan3A_4 : i32
    %scan3A_6 = arith.constant 1 : i32
    scf.for %scan3A_86 = %scan3A_3 to %scan3A_5 step %scan3A_6  : i32 {
      %mul3A_87 = arith.constant 5 : i32
      %mul3A_88 = arith.muli %scan3A_86, %mul3A_87 : i32
      %add3A_89 = arith.constant 0 : i32
      %add3A_90 = arith.addi %mul3A_88, %add3A_89 : i32
      %gt3A = arith.constant 0 : i32
      %gt3A_91 = arith.cmpi sgt, %scan3A_86, %gt3A : i32
      %convert_element_type3A = arith.extui %gt3A_91 : i1 to i32
      %cond3A = arith.constant 0 : i32
      %cond3A_92 = arith.cmpi ne, %convert_element_type3A, %cond3A : i32
      scf.if %cond3A_92 {
        %dma_wait3A_481 = arith.constant 0 : i32
        %dma_wait3A_482 = arith.constant 0 : i32
        %dma_wait3A_483 = tpu.memref_slice %arg11[%dma_wait3A_481, %dma_wait3A_482] : memref<80x128xi32, #tpu.memory_space<vmem>> -> memref<1x128xi32, #tpu.memory_space<vmem>>
        %dma_wait3A_484 = tpu.memref_squeeze %dma_wait3A_483 : memref<1x128xi32, #tpu.memory_space<vmem>> -> memref<128xi32, #tpu.memory_space<vmem>>
        %dma_wait3A_485 = arith.constant 0 : i32
        %dma_wait3A_486 = arith.constant 0 : i32
        %dma_wait3A_487 = tpu.memref_slice %arg23[%dma_wait3A_485, %dma_wait3A_486] : memref<10240x64xf32, #tpu.memory_space<vmem_shared>> -> memref<10240x64xf32, #tpu.memory_space<vmem_shared>>
        tpu.wait_indirect_dma semaphore(%arg30 : memref<!tpu.dma_semaphore, #tpu.memory_space<semaphore_mem>>) src(%arg13 : memref<128x64xf32, #tpu.memory_space<vmem>>) dst(%dma_wait3A_487 : memref<10240x64xf32, #tpu.memory_space<vmem_shared>>)
        %dma_wait3A_488 = arith.constant 0 : i32
        %dma_wait3A_489 = arith.constant 0 : i32
        %dma_wait3A_490 = tpu.memref_slice %arg10[%dma_wait3A_488, %dma_wait3A_489] : memref<80x128xi32, #tpu.memory_space<vmem>> -> memref<1x128xi32, #tpu.memory_space<vmem>>
        %dma_wait3A_491 = tpu.memref_squeeze %dma_wait3A_490 : memref<1x128xi32, #tpu.memory_space<vmem>> -> memref<128xi32, #tpu.memory_space<vmem>>
        %dma_wait3A_492 = arith.constant 0 : i32
        %dma_wait3A_493 = tpu.memref_slice %arg24[%dma_wait3A_492] : memref<10240xf32, #tpu.memory_space<vmem_shared>> -> memref<10240xf32, #tpu.memory_space<vmem_shared>>
        tpu.wait_indirect_dma semaphore(%arg35 : memref<!tpu.dma_semaphore, #tpu.memory_space<semaphore_mem>>) src(%arg18 : memref<128xf32, #tpu.memory_space<vmem>>) dst(%dma_wait3A_493 : memref<10240xf32, #tpu.memory_space<vmem_shared>>)
      } else {
      }
      %dma_start3A_93 = arith.constant 0 : i32
      %dma_start3A_94 = tpu.memref_slice %arg10[%add3A_90, %dma_start3A_93] : memref<80x128xi32, #tpu.memory_space<vmem>> -> memref<1x128xi32, #tpu.memory_space<vmem>>
      %dma_start3A_95 = tpu.memref_squeeze %dma_start3A_94 : memref<1x128xi32, #tpu.memory_space<vmem>> -> memref<128xi32, #tpu.memory_space<vmem>>
      %dma_start3A_96 = arith.constant 0 : i32
      %dma_start3A_97 = arith.constant 0 : i32
      %dma_start3A_98 = tpu.memref_slice %arg4[%dma_start3A_96, %dma_start3A_97] : memref<10240x64xf32, #tpu.memory_space<hbm>> -> memref<10240x64xf32, #tpu.memory_space<hbm>>
      tpu.enqueue_indirect_dma source(%dma_start3A_98 : memref<10240x64xf32, #tpu.memory_space<hbm>>) target(%arg13 : memref<128x64xf32, #tpu.memory_space<vmem>>) offsets(%dma_start3A_95 : memref<128xi32, #tpu.memory_space<vmem>>) semaphore(%arg25 : memref<!tpu.dma_semaphore, #tpu.memory_space<semaphore_mem>>)
      %get3A = arith.index_cast %add3A_90 : i32 to index
      %get3A_99 = arith.constant 0 : index
      %get3A_100 = tpu.vector_load %arg11[%get3A, %get3A_99] {strides = array<i32>} : memref<80x128xi32, #tpu.memory_space<vmem>>, vector<16xi32>,
      %gather3A = tpu.vector_load_idx %arg12[%get3A_100] : memref<10240xf32, #tpu.memory_space<vmem>>[vector<16xi32>], vector<16xf32>,
      %swap3A = arith.constant 0 : index
      %swap3A_101 = tpu.vector_load %arg18[%swap3A] {strides = array<i32>} : memref<128xf32, #tpu.memory_space<vmem>>, vector<16xf32>,
      tpu.vector_store %arg18[%swap3A], %gather3A {strides = array<i32>} : memref<128xf32, #tpu.memory_space<vmem>>, vector<16xf32>,
      %get3A_102 = arith.index_cast %add3A_90 : i32 to index
      %get3A_103 = arith.constant 16 : index
      %get3A_104 = tpu.vector_load %arg11[%get3A_102, %get3A_103] {strides = array<i32>} : memref<80x128xi32, #tpu.memory_space<vmem>>, vector<16xi32>,
      %gather3A_105 = tpu.vector_load_idx %arg12[%get3A_104] : memref<10240xf32, #tpu.memory_space<vmem>>[vector<16xi32>], vector<16xf32>,
      %swap3A_106 = arith.constant 16 : index
      %swap3A_107 = tpu.vector_load %arg18[%swap3A_106] {strides = array<i32>} : memref<128xf32, #tpu.memory_space<vmem>>, vector<16xf32>,
      tpu.vector_store %arg18[%swap3A_106], %gather3A_105 {strides = array<i32>} : memref<128xf32, #tpu.memory_space<vmem>>, vector<16xf32>,
      %get3A_108 = arith.index_cast %add3A_90 : i32 to index
      %get3A_109 = arith.constant 32 : index
      %get3A_110 = tpu.vector_load %arg11[%get3A_108, %get3A_109] {strides = array<i32>} : memref<80x128xi32, #tpu.memory_space<vmem>>, vector<16xi32>,
      %gather3A_111 = tpu.vector_load_idx %arg12[%get3A_110] : memref<10240xf32, #tpu.memory_space<vmem>>[vector<16xi32>], vector<16xf32>,
      %swap3A_112 = arith.constant 32 : index
      %swap3A_113 = tpu.vector_load %arg18[%swap3A_112] {strides = array<i32>} : memref<128xf32, #tpu.memory_space<vmem>>, vector<16xf32>,
      tpu.vector_store %arg18[%swap3A_112], %gather3A_111 {strides = array<i32>} : memref<128xf32, #tpu.memory_space<vmem>>, vector<16xf32>,
      %get3A_114 = arith.index_cast %add3A_90 : i32 to index
      %get3A_115 = arith.constant 48 : index
      %get3A_116 = tpu.vector_load %arg11[%get3A_114, %get3A_115] {strides = array<i32>} : memref<80x128xi32, #tpu.memory_space<vmem>>, vector<16xi32>,
      %gather3A_117 = tpu.vector_load_idx %arg12[%get3A_116] : memref<10240xf32, #tpu.memory_space<vmem>>[vector<16xi32>], vector<16xf32>,
      %swap3A_118 = arith.constant 48 : index
      %swap3A_119 = tpu.vector_load %arg18[%swap3A_118] {strides = array<i32>} : memref<128xf32, #tpu.memory_space<vmem>>, vector<16xf32>,
      tpu.vector_store %arg18[%swap3A_118], %gather3A_117 {strides = array<i32>} : memref<128xf32, #tpu.memory_space<vmem>>, vector<16xf32>,
      %get3A_120 = arith.index_cast %add3A_90 : i32 to index
      %get3A_121 = arith.constant 64 : index
      %get3A_122 = tpu.vector_load %arg11[%get3A_120, %get3A_121] {strides = array<i32>} : memref<80x128xi32, #tpu.memory_space<vmem>>, vector<16xi32>,
      %gather3A_123 = tpu.vector_load_idx %arg12[%get3A_122] : memref<10240xf32, #tpu.memory_space<vmem>>[vector<16xi32>], vector<16xf32>,
      %swap3A_124 = arith.constant 64 : index
      %swap3A_125 = tpu.vector_load %arg18[%swap3A_124] {strides = array<i32>} : memref<128xf32, #tpu.memory_space<vmem>>, vector<16xf32>,
      tpu.vector_store %arg18[%swap3A_124], %gather3A_123 {strides = array<i32>} : memref<128xf32, #tpu.memory_space<vmem>>, vector<16xf32>,
      %get3A_126 = arith.index_cast %add3A_90 : i32 to index
      %get3A_127 = arith.constant 80 : index
      %get3A_128 = tpu.vector_load %arg11[%get3A_126, %get3A_127] {strides = array<i32>} : memref<80x128xi32, #tpu.memory_space<vmem>>, vector<16xi32>,
      %gather3A_129 = tpu.vector_load_idx %arg12[%get3A_128] : memref<10240xf32, #tpu.memory_space<vmem>>[vector<16xi32>], vector<16xf32>,
      %swap3A_130 = arith.constant 80 : index
      %swap3A_131 = tpu.vector_load %arg18[%swap3A_130] {strides = array<i32>} : memref<128xf32, #tpu.memory_space<vmem>>, vector<16xf32>,
      tpu.vector_store %arg18[%swap3A_130], %gather3A_129 {strides = array<i32>} : memref<128xf32, #tpu.memory_space<vmem>>, vector<16xf32>,
      %get3A_132 = arith.index_cast %add3A_90 : i32 to index
      %get3A_133 = arith.constant 96 : index
      %get3A_134 = tpu.vector_load %arg11[%get3A_132, %get3A_133] {strides = array<i32>} : memref<80x128xi32, #tpu.memory_space<vmem>>, vector<16xi32>,
      %gather3A_135 = tpu.vector_load_idx %arg12[%get3A_134] : memref<10240xf32, #tpu.memory_space<vmem>>[vector<16xi32>], vector<16xf32>,
      %swap3A_136 = arith.constant 96 : index
      %swap3A_137 = tpu.vector_load %arg18[%swap3A_136] {strides = array<i32>} : memref<128xf32, #tpu.memory_space<vmem>>, vector<16xf32>,
      tpu.vector_store %arg18[%swap3A_136], %gather3A_135 {strides = array<i32>} : memref<128xf32, #tpu.memory_space<vmem>>, vector<16xf32>,
      %get3A_138 = arith.index_cast %add3A_90 : i32 to index
      %get3A_139 = arith.constant 112 : index
      %get3A_140 = tpu.vector_load %arg11[%get3A_138, %get3A_139] {strides = array<i32>} : memref<80x128xi32, #tpu.memory_space<vmem>>, vector<16xi32>,
      %gather3A_141 = tpu.vector_load_idx %arg12[%get3A_140] : memref<10240xf32, #tpu.memory_space<vmem>>[vector<16xi32>], vector<16xf32>,
      %swap3A_142 = arith.constant 112 : index
      %swap3A_143 = tpu.vector_load %arg18[%swap3A_142] {strides = array<i32>} : memref<128xf32, #tpu.memory_space<vmem>>, vector<16xf32>,
      tpu.vector_store %arg18[%swap3A_142], %gather3A_141 {strides = array<i32>} : memref<128xf32, #tpu.memory_space<vmem>>, vector<16xf32>,
      %dma_start3A_144 = arith.constant 0 : i32
      %dma_start3A_145 = tpu.memref_slice %arg10[%add3A_90, %dma_start3A_144] : memref<80x128xi32, #tpu.memory_space<vmem>> -> memref<1x128xi32, #tpu.memory_space<vmem>>
      %dma_start3A_146 = tpu.memref_squeeze %dma_start3A_145 : memref<1x128xi32, #tpu.memory_space<vmem>> -> memref<128xi32, #tpu.memory_space<vmem>>
      %dma_start3A_147 = arith.constant 0 : i32
      %dma_start3A_148 = tpu.memref_slice %arg24[%dma_start3A_147] : memref<10240xf32, #tpu.memory_space<vmem_shared>> -> memref<10240xf32, #tpu.memory_space<vmem_shared>>
      tpu.enqueue_indirect_dma source(%arg18 : memref<128xf32, #tpu.memory_space<vmem>>) target(%dma_start3A_148 : memref<10240xf32, #tpu.memory_space<vmem_shared>>) offsets(%dma_start3A_146 : memref<128xi32, #tpu.memory_space<vmem>>) semaphore(%arg35 : memref<!tpu.dma_semaphore, #tpu.memory_space<semaphore_mem>>) {add = true}
      %gt3A_149 = arith.constant 0 : i32
      %gt3A_150 = arith.cmpi sgt, %scan3A_86, %gt3A_149 : i32
      %convert_element_type3A_151 = arith.extui %gt3A_150 : i1 to i32
      %cond3A_152 = arith.constant 0 : i32
      %cond3A_153 = arith.cmpi ne, %convert_element_type3A_151, %cond3A_152 : i32
      scf.if %cond3A_153 {
        %mul3A_481 = arith.constant 5 : i32
        %mul3A_482 = arith.muli %scan3A_86, %mul3A_481 : i32
        %sub3A_483 = arith.constant 1 : i32
        %sub3A_484 = arith.subi %mul3A_482, %sub3A_483 : i32
        %dma_wait3A_485 = arith.constant 0 : i32
        %dma_wait3A_486 = tpu.memref_slice %arg10[%sub3A_484, %dma_wait3A_485] : memref<80x128xi32, #tpu.memory_space<vmem>> -> memref<1x128xi32, #tpu.memory_space<vmem>>
        %dma_wait3A_487 = tpu.memref_squeeze %dma_wait3A_486 : memref<1x128xi32, #tpu.memory_space<vmem>> -> memref<128xi32, #tpu.memory_space<vmem>>
        %dma_wait3A_488 = arith.constant 0 : i32
        %dma_wait3A_489 = arith.constant 0 : i32
        %dma_wait3A_490 = tpu.memref_slice %arg4[%dma_wait3A_488, %dma_wait3A_489] : memref<10240x64xf32, #tpu.memory_space<hbm>> -> memref<10240x64xf32, #tpu.memory_space<hbm>>
        tpu.wait_indirect_dma semaphore(%arg29 : memref<!tpu.dma_semaphore, #tpu.memory_space<semaphore_mem>>) src(%dma_wait3A_490 : memref<10240x64xf32, #tpu.memory_space<hbm>>) dst(%arg17 : memref<128x64xf32, #tpu.memory_space<vmem>>)
        %dma_start3A_491 = arith.constant 0 : i32
        %dma_start3A_492 = tpu.memref_slice %arg11[%sub3A_484, %dma_start3A_491] : memref<80x128xi32, #tpu.memory_space<vmem>> -> memref<1x128xi32, #tpu.memory_space<vmem>>
        %dma_start3A_493 = tpu.memref_squeeze %dma_start3A_492 : memref<1x128xi32, #tpu.memory_space<vmem>> -> memref<128xi32, #tpu.memory_space<vmem>>
        %dma_start3A_494 = arith.constant 0 : i32
        %dma_start3A_495 = arith.constant 0 : i32
        %dma_start3A_496 = tpu.memref_slice %arg23[%dma_start3A_494, %dma_start3A_495] : memref<10240x64xf32, #tpu.memory_space<vmem_shared>> -> memref<10240x64xf32, #tpu.memory_space<vmem_shared>>
        tpu.enqueue_indirect_dma source(%arg17 : memref<128x64xf32, #tpu.memory_space<vmem>>) target(%dma_start3A_496 : memref<10240x64xf32, #tpu.memory_space<vmem_shared>>) offsets(%dma_start3A_493 : memref<128xi32, #tpu.memory_space<vmem>>) semaphore(%arg34 : memref<!tpu.dma_semaphore, #tpu.memory_space<semaphore_mem>>) {add = true}
      } else {
      }
      %mul3A_154 = arith.constant 5 : i32
      %mul3A_155 = arith.muli %scan3A_86, %mul3A_154 : i32
      %add3A_156 = arith.constant 1 : i32
      %add3A_157 = arith.addi %mul3A_155, %add3A_156 : i32
      %gt3A_158 = arith.constant 0 : i32
      %gt3A_159 = arith.cmpi sgt, %scan3A_86, %gt3A_158 : i32
      %convert_element_type3A_160 = arith.extui %gt3A_159 : i1 to i32
      %cond3A_161 = arith.constant 0 : i32
      %cond3A_162 = arith.cmpi ne, %convert_element_type3A_160, %cond3A_161 : i32
      scf.if %cond3A_162 {
        %dma_wait3A_481 = arith.constant 0 : i32
        %dma_wait3A_482 = arith.constant 0 : i32
        %dma_wait3A_483 = tpu.memref_slice %arg11[%dma_wait3A_481, %dma_wait3A_482] : memref<80x128xi32, #tpu.memory_space<vmem>> -> memref<1x128xi32, #tpu.memory_space<vmem>>
        %dma_wait3A_484 = tpu.memref_squeeze %dma_wait3A_483 : memref<1x128xi32, #tpu.memory_space<vmem>> -> memref<128xi32, #tpu.memory_space<vmem>>
        %dma_wait3A_485 = arith.constant 0 : i32
        %dma_wait3A_486 = arith.constant 0 : i32
        %dma_wait3A_487 = tpu.memref_slice %arg23[%dma_wait3A_485, %dma_wait3A_486] : memref<10240x64xf32, #tpu.memory_space<vmem_shared>> -> memref<10240x64xf32, #tpu.memory_space<vmem_shared>>
        tpu.wait_indirect_dma semaphore(%arg31 : memref<!tpu.dma_semaphore, #tpu.memory_space<semaphore_mem>>) src(%arg14 : memref<128x64xf32, #tpu.memory_space<vmem>>) dst(%dma_wait3A_487 : memref<10240x64xf32, #tpu.memory_space<vmem_shared>>)
        %dma_wait3A_488 = arith.constant 0 : i32
        %dma_wait3A_489 = arith.constant 0 : i32
        %dma_wait3A_490 = tpu.memref_slice %arg10[%dma_wait3A_488, %dma_wait3A_489] : memref<80x128xi32, #tpu.memory_space<vmem>> -> memref<1x128xi32, #tpu.memory_space<vmem>>
        %dma_wait3A_491 = tpu.memref_squeeze %dma_wait3A_490 : memref<1x128xi32, #tpu.memory_space<vmem>> -> memref<128xi32, #tpu.memory_space<vmem>>
        %dma_wait3A_492 = arith.constant 0 : i32
        %dma_wait3A_493 = tpu.memref_slice %arg24[%dma_wait3A_492] : memref<10240xf32, #tpu.memory_space<vmem_shared>> -> memref<10240xf32, #tpu.memory_space<vmem_shared>>
        tpu.wait_indirect_dma semaphore(%arg36 : memref<!tpu.dma_semaphore, #tpu.memory_space<semaphore_mem>>) src(%arg19 : memref<128xf32, #tpu.memory_space<vmem>>) dst(%dma_wait3A_493 : memref<10240xf32, #tpu.memory_space<vmem_shared>>)
      } else {
      }
      %dma_start3A_163 = arith.constant 0 : i32
      %dma_start3A_164 = tpu.memref_slice %arg10[%add3A_157, %dma_start3A_163] : memref<80x128xi32, #tpu.memory_space<vmem>> -> memref<1x128xi32, #tpu.memory_space<vmem>>
      %dma_start3A_165 = tpu.memref_squeeze %dma_start3A_164 : memref<1x128xi32, #tpu.memory_space<vmem>> -> memref<128xi32, #tpu.memory_space<vmem>>
      %dma_start3A_166 = arith.constant 0 : i32
      %dma_start3A_167 = arith.constant 0 : i32
      %dma_start3A_168 = tpu.memref_slice %arg4[%dma_start3A_166, %dma_start3A_167] : memref<10240x64xf32, #tpu.memory_space<hbm>> -> memref<10240x64xf32, #tpu.memory_space<hbm>>
      tpu.enqueue_indirect_dma source(%dma_start3A_168 : memref<10240x64xf32, #tpu.memory_space<hbm>>) target(%arg14 : memref<128x64xf32, #tpu.memory_space<vmem>>) offsets(%dma_start3A_165 : memref<128xi32, #tpu.memory_space<vmem>>) semaphore(%arg26 : memref<!tpu.dma_semaphore, #tpu.memory_space<semaphore_mem>>)
      %get3A_169 = arith.index_cast %add3A_157 : i32 to index
      %get3A_170 = arith.constant 0 : index
      %get3A_171 = tpu.vector_load %arg11[%get3A_169, %get3A_170] {strides = array<i32>} : memref<80x128xi32, #tpu.memory_space<vmem>>, vector<16xi32>,
      %gather3A_172 = tpu.vector_load_idx %arg12[%get3A_171] : memref<10240xf32, #tpu.memory_space<vmem>>[vector<16xi32>], vector<16xf32>,
      %swap3A_173 = arith.constant 0 : index
      %swap3A_174 = tpu.vector_load %arg19[%swap3A_173] {strides = array<i32>} : memref<128xf32, #tpu.memory_space<vmem>>, vector<16xf32>,
      tpu.vector_store %arg19[%swap3A_173], %gather3A_172 {strides = array<i32>} : memref<128xf32, #tpu.memory_space<vmem>>, vector<16xf32>,
      %get3A_175 = arith.index_cast %add3A_157 : i32 to index
      %get3A_176 = arith.constant 16 : index
      %get3A_177 = tpu.vector_load %arg11[%get3A_175, %get3A_176] {strides = array<i32>} : memref<80x128xi32, #tpu.memory_space<vmem>>, vector<16xi32>,
      %gather3A_178 = tpu.vector_load_idx %arg12[%get3A_177] : memref<10240xf32, #tpu.memory_space<vmem>>[vector<16xi32>], vector<16xf32>,
      %swap3A_179 = arith.constant 16 : index
      %swap3A_180 = tpu.vector_load %arg19[%swap3A_179] {strides = array<i32>} : memref<128xf32, #tpu.memory_space<vmem>>, vector<16xf32>,
      tpu.vector_store %arg19[%swap3A_179], %gather3A_178 {strides = array<i32>} : memref<128xf32, #tpu.memory_space<vmem>>, vector<16xf32>,
      %get3A_181 = arith.index_cast %add3A_157 : i32 to index
      %get3A_182 = arith.constant 32 : index
      %get3A_183 = tpu.vector_load %arg11[%get3A_181, %get3A_182] {strides = array<i32>} : memref<80x128xi32, #tpu.memory_space<vmem>>, vector<16xi32>,
      %gather3A_184 = tpu.vector_load_idx %arg12[%get3A_183] : memref<10240xf32, #tpu.memory_space<vmem>>[vector<16xi32>], vector<16xf32>,
      %swap3A_185 = arith.constant 32 : index
      %swap3A_186 = tpu.vector_load %arg19[%swap3A_185] {strides = array<i32>} : memref<128xf32, #tpu.memory_space<vmem>>, vector<16xf32>,
      tpu.vector_store %arg19[%swap3A_185], %gather3A_184 {strides = array<i32>} : memref<128xf32, #tpu.memory_space<vmem>>, vector<16xf32>,
      %get3A_187 = arith.index_cast %add3A_157 : i32 to index
      %get3A_188 = arith.constant 48 : index
      %get3A_189 = tpu.vector_load %arg11[%get3A_187, %get3A_188] {strides = array<i32>} : memref<80x128xi32, #tpu.memory_space<vmem>>, vector<16xi32>,
      %gather3A_190 = tpu.vector_load_idx %arg12[%get3A_189] : memref<10240xf32, #tpu.memory_space<vmem>>[vector<16xi32>], vector<16xf32>,
      %swap3A_191 = arith.constant 48 : index
      %swap3A_192 = tpu.vector_load %arg19[%swap3A_191] {strides = array<i32>} : memref<128xf32, #tpu.memory_space<vmem>>, vector<16xf32>,
      tpu.vector_store %arg19[%swap3A_191], %gather3A_190 {strides = array<i32>} : memref<128xf32, #tpu.memory_space<vmem>>, vector<16xf32>,
      %get3A_193 = arith.index_cast %add3A_157 : i32 to index
      %get3A_194 = arith.constant 64 : index
      %get3A_195 = tpu.vector_load %arg11[%get3A_193, %get3A_194] {strides = array<i32>} : memref<80x128xi32, #tpu.memory_space<vmem>>, vector<16xi32>,
      %gather3A_196 = tpu.vector_load_idx %arg12[%get3A_195] : memref<10240xf32, #tpu.memory_space<vmem>>[vector<16xi32>], vector<16xf32>,
      %swap3A_197 = arith.constant 64 : index
      %swap3A_198 = tpu.vector_load %arg19[%swap3A_197] {strides = array<i32>} : memref<128xf32, #tpu.memory_space<vmem>>, vector<16xf32>,
      tpu.vector_store %arg19[%swap3A_197], %gather3A_196 {strides = array<i32>} : memref<128xf32, #tpu.memory_space<vmem>>, vector<16xf32>,
      %get3A_199 = arith.index_cast %add3A_157 : i32 to index
      %get3A_200 = arith.constant 80 : index
      %get3A_201 = tpu.vector_load %arg11[%get3A_199, %get3A_200] {strides = array<i32>} : memref<80x128xi32, #tpu.memory_space<vmem>>, vector<16xi32>,
      %gather3A_202 = tpu.vector_load_idx %arg12[%get3A_201] : memref<10240xf32, #tpu.memory_space<vmem>>[vector<16xi32>], vector<16xf32>,
      %swap3A_203 = arith.constant 80 : index
      %swap3A_204 = tpu.vector_load %arg19[%swap3A_203] {strides = array<i32>} : memref<128xf32, #tpu.memory_space<vmem>>, vector<16xf32>,
      tpu.vector_store %arg19[%swap3A_203], %gather3A_202 {strides = array<i32>} : memref<128xf32, #tpu.memory_space<vmem>>, vector<16xf32>,
      %get3A_205 = arith.index_cast %add3A_157 : i32 to index
      %get3A_206 = arith.constant 96 : index
      %get3A_207 = tpu.vector_load %arg11[%get3A_205, %get3A_206] {strides = array<i32>} : memref<80x128xi32, #tpu.memory_space<vmem>>, vector<16xi32>,
      %gather3A_208 = tpu.vector_load_idx %arg12[%get3A_207] : memref<10240xf32, #tpu.memory_space<vmem>>[vector<16xi32>], vector<16xf32>,
      %swap3A_209 = arith.constant 96 : index
      %swap3A_210 = tpu.vector_load %arg19[%swap3A_209] {strides = array<i32>} : memref<128xf32, #tpu.memory_space<vmem>>, vector<16xf32>,
      tpu.vector_store %arg19[%swap3A_209], %gather3A_208 {strides = array<i32>} : memref<128xf32, #tpu.memory_space<vmem>>, vector<16xf32>,
      %get3A_211 = arith.index_cast %add3A_157 : i32 to index
      %get3A_212 = arith.constant 112 : index
      %get3A_213 = tpu.vector_load %arg11[%get3A_211, %get3A_212] {strides = array<i32>} : memref<80x128xi32, #tpu.memory_space<vmem>>, vector<16xi32>,
      %gather3A_214 = tpu.vector_load_idx %arg12[%get3A_213] : memref<10240xf32, #tpu.memory_space<vmem>>[vector<16xi32>], vector<16xf32>,
      %swap3A_215 = arith.constant 112 : index
      %swap3A_216 = tpu.vector_load %arg19[%swap3A_215] {strides = array<i32>} : memref<128xf32, #tpu.memory_space<vmem>>, vector<16xf32>,
      tpu.vector_store %arg19[%swap3A_215], %gather3A_214 {strides = array<i32>} : memref<128xf32, #tpu.memory_space<vmem>>, vector<16xf32>,
      %dma_start3A_217 = arith.constant 0 : i32
      %dma_start3A_218 = tpu.memref_slice %arg10[%add3A_157, %dma_start3A_217] : memref<80x128xi32, #tpu.memory_space<vmem>> -> memref<1x128xi32, #tpu.memory_space<vmem>>
      %dma_start3A_219 = tpu.memref_squeeze %dma_start3A_218 : memref<1x128xi32, #tpu.memory_space<vmem>> -> memref<128xi32, #tpu.memory_space<vmem>>
      %dma_start3A_220 = arith.constant 0 : i32
      %dma_start3A_221 = tpu.memref_slice %arg24[%dma_start3A_220] : memref<10240xf32, #tpu.memory_space<vmem_shared>> -> memref<10240xf32, #tpu.memory_space<vmem_shared>>
      tpu.enqueue_indirect_dma source(%arg19 : memref<128xf32, #tpu.memory_space<vmem>>) target(%dma_start3A_221 : memref<10240xf32, #tpu.memory_space<vmem_shared>>) offsets(%dma_start3A_219 : memref<128xi32, #tpu.memory_space<vmem>>) semaphore(%arg36 : memref<!tpu.dma_semaphore, #tpu.memory_space<semaphore_mem>>) {add = true}
      %sub3A = arith.constant 1 : i32
      %sub3A_222 = arith.subi %add3A_157, %sub3A : i32
      %dma_wait3A_223 = arith.constant 0 : i32
      %dma_wait3A_224 = tpu.memref_slice %arg10[%sub3A_222, %dma_wait3A_223] : memref<80x128xi32, #tpu.memory_space<vmem>> -> memref<1x128xi32, #tpu.memory_space<vmem>>
      %dma_wait3A_225 = tpu.memref_squeeze %dma_wait3A_224 : memref<1x128xi32, #tpu.memory_space<vmem>> -> memref<128xi32, #tpu.memory_space<vmem>>
      %dma_wait3A_226 = arith.constant 0 : i32
      %dma_wait3A_227 = arith.constant 0 : i32
      %dma_wait3A_228 = tpu.memref_slice %arg4[%dma_wait3A_226, %dma_wait3A_227] : memref<10240x64xf32, #tpu.memory_space<hbm>> -> memref<10240x64xf32, #tpu.memory_space<hbm>>
      tpu.wait_indirect_dma semaphore(%arg25 : memref<!tpu.dma_semaphore, #tpu.memory_space<semaphore_mem>>) src(%dma_wait3A_228 : memref<10240x64xf32, #tpu.memory_space<hbm>>) dst(%arg13 : memref<128x64xf32, #tpu.memory_space<vmem>>)
      %dma_start3A_229 = arith.constant 0 : i32
      %dma_start3A_230 = tpu.memref_slice %arg11[%sub3A_222, %dma_start3A_229] : memref<80x128xi32, #tpu.memory_space<vmem>> -> memref<1x128xi32, #tpu.memory_space<vmem>>
      %dma_start3A_231 = tpu.memref_squeeze %dma_start3A_230 : memref<1x128xi32, #tpu.memory_space<vmem>> -> memref<128xi32, #tpu.memory_space<vmem>>
      %dma_start3A_232 = arith.constant 0 : i32
      %dma_start3A_233 = arith.constant 0 : i32
      %dma_start3A_234 = tpu.memref_slice %arg23[%dma_start3A_232, %dma_start3A_233] : memref<10240x64xf32, #tpu.memory_space<vmem_shared>> -> memref<10240x64xf32, #tpu.memory_space<vmem_shared>>
      tpu.enqueue_indirect_dma source(%arg13 : memref<128x64xf32, #tpu.memory_space<vmem>>) target(%dma_start3A_234 : memref<10240x64xf32, #tpu.memory_space<vmem_shared>>) offsets(%dma_start3A_231 : memref<128xi32, #tpu.memory_space<vmem>>) semaphore(%arg30 : memref<!tpu.dma_semaphore, #tpu.memory_space<semaphore_mem>>) {add = true}
      %mul3A_235 = arith.constant 5 : i32
      %mul3A_236 = arith.muli %scan3A_86, %mul3A_235 : i32
      %add3A_237 = arith.constant 2 : i32
      %add3A_238 = arith.addi %mul3A_236, %add3A_237 : i32
      %gt3A_239 = arith.constant 0 : i32
      %gt3A_240 = arith.cmpi sgt, %scan3A_86, %gt3A_239 : i32
      %convert_element_type3A_241 = arith.extui %gt3A_240 : i1 to i32
      %cond3A_242 = arith.constant 0 : i32
      %cond3A_243 = arith.cmpi ne, %convert_element_type3A_241, %cond3A_242 : i32
      scf.if %cond3A_243 {
        %dma_wait3A_481 = arith.constant 0 : i32
        %dma_wait3A_482 = arith.constant 0 : i32
        %dma_wait3A_483 = tpu.memref_slice %arg11[%dma_wait3A_481, %dma_wait3A_482] : memref<80x128xi32, #tpu.memory_space<vmem>> -> memref<1x128xi32, #tpu.memory_space<vmem>>
        %dma_wait3A_484 = tpu.memref_squeeze %dma_wait3A_483 : memref<1x128xi32, #tpu.memory_space<vmem>> -> memref<128xi32, #tpu.memory_space<vmem>>
        %dma_wait3A_485 = arith.constant 0 : i32
        %dma_wait3A_486 = arith.constant 0 : i32
        %dma_wait3A_487 = tpu.memref_slice %arg23[%dma_wait3A_485, %dma_wait3A_486] : memref<10240x64xf32, #tpu.memory_space<vmem_shared>> -> memref<10240x64xf32, #tpu.memory_space<vmem_shared>>
        tpu.wait_indirect_dma semaphore(%arg32 : memref<!tpu.dma_semaphore, #tpu.memory_space<semaphore_mem>>) src(%arg15 : memref<128x64xf32, #tpu.memory_space<vmem>>) dst(%dma_wait3A_487 : memref<10240x64xf32, #tpu.memory_space<vmem_shared>>)
        %dma_wait3A_488 = arith.constant 0 : i32
        %dma_wait3A_489 = arith.constant 0 : i32
        %dma_wait3A_490 = tpu.memref_slice %arg10[%dma_wait3A_488, %dma_wait3A_489] : memref<80x128xi32, #tpu.memory_space<vmem>> -> memref<1x128xi32, #tpu.memory_space<vmem>>
        %dma_wait3A_491 = tpu.memref_squeeze %dma_wait3A_490 : memref<1x128xi32, #tpu.memory_space<vmem>> -> memref<128xi32, #tpu.memory_space<vmem>>
        %dma_wait3A_492 = arith.constant 0 : i32
        %dma_wait3A_493 = tpu.memref_slice %arg24[%dma_wait3A_492] : memref<10240xf32, #tpu.memory_space<vmem_shared>> -> memref<10240xf32, #tpu.memory_space<vmem_shared>>
        tpu.wait_indirect_dma semaphore(%arg37 : memref<!tpu.dma_semaphore, #tpu.memory_space<semaphore_mem>>) src(%arg20 : memref<128xf32, #tpu.memory_space<vmem>>) dst(%dma_wait3A_493 : memref<10240xf32, #tpu.memory_space<vmem_shared>>)
      } else {
      }
      %dma_start3A_244 = arith.constant 0 : i32
      %dma_start3A_245 = tpu.memref_slice %arg10[%add3A_238, %dma_start3A_244] : memref<80x128xi32, #tpu.memory_space<vmem>> -> memref<1x128xi32, #tpu.memory_space<vmem>>
      %dma_start3A_246 = tpu.memref_squeeze %dma_start3A_245 : memref<1x128xi32, #tpu.memory_space<vmem>> -> memref<128xi32, #tpu.memory_space<vmem>>
      %dma_start3A_247 = arith.constant 0 : i32
      %dma_start3A_248 = arith.constant 0 : i32
      %dma_start3A_249 = tpu.memref_slice %arg4[%dma_start3A_247, %dma_start3A_248] : memref<10240x64xf32, #tpu.memory_space<hbm>> -> memref<10240x64xf32, #tpu.memory_space<hbm>>
      tpu.enqueue_indirect_dma source(%dma_start3A_249 : memref<10240x64xf32, #tpu.memory_space<hbm>>) target(%arg15 : memref<128x64xf32, #tpu.memory_space<vmem>>) offsets(%dma_start3A_246 : memref<128xi32, #tpu.memory_space<vmem>>) semaphore(%arg27 : memref<!tpu.dma_semaphore, #tpu.memory_space<semaphore_mem>>)
      %get3A_250 = arith.index_cast %add3A_238 : i32 to index
      %get3A_251 = arith.constant 0 : index
      %get3A_252 = tpu.vector_load %arg11[%get3A_250, %get3A_251] {strides = array<i32>} : memref<80x128xi32, #tpu.memory_space<vmem>>, vector<16xi32>,
      %gather3A_253 = tpu.vector_load_idx %arg12[%get3A_252] : memref<10240xf32, #tpu.memory_space<vmem>>[vector<16xi32>], vector<16xf32>,
      %swap3A_254 = arith.constant 0 : index
      %swap3A_255 = tpu.vector_load %arg20[%swap3A_254] {strides = array<i32>} : memref<128xf32, #tpu.memory_space<vmem>>, vector<16xf32>,
      tpu.vector_store %arg20[%swap3A_254], %gather3A_253 {strides = array<i32>} : memref<128xf32, #tpu.memory_space<vmem>>, vector<16xf32>,
      %get3A_256 = arith.index_cast %add3A_238 : i32 to index
      %get3A_257 = arith.constant 16 : index
      %get3A_258 = tpu.vector_load %arg11[%get3A_256, %get3A_257] {strides = array<i32>} : memref<80x128xi32, #tpu.memory_space<vmem>>, vector<16xi32>,
      %gather3A_259 = tpu.vector_load_idx %arg12[%get3A_258] : memref<10240xf32, #tpu.memory_space<vmem>>[vector<16xi32>], vector<16xf32>,
      %swap3A_260 = arith.constant 16 : index
      %swap3A_261 = tpu.vector_load %arg20[%swap3A_260] {strides = array<i32>} : memref<128xf32, #tpu.memory_space<vmem>>, vector<16xf32>,
      tpu.vector_store %arg20[%swap3A_260], %gather3A_259 {strides = array<i32>} : memref<128xf32, #tpu.memory_space<vmem>>, vector<16xf32>,
      %get3A_262 = arith.index_cast %add3A_238 : i32 to index
      %get3A_263 = arith.constant 32 : index
      %get3A_264 = tpu.vector_load %arg11[%get3A_262, %get3A_263] {strides = array<i32>} : memref<80x128xi32, #tpu.memory_space<vmem>>, vector<16xi32>,
      %gather3A_265 = tpu.vector_load_idx %arg12[%get3A_264] : memref<10240xf32, #tpu.memory_space<vmem>>[vector<16xi32>], vector<16xf32>,
      %swap3A_266 = arith.constant 32 : index
      %swap3A_267 = tpu.vector_load %arg20[%swap3A_266] {strides = array<i32>} : memref<128xf32, #tpu.memory_space<vmem>>, vector<16xf32>,
      tpu.vector_store %arg20[%swap3A_266], %gather3A_265 {strides = array<i32>} : memref<128xf32, #tpu.memory_space<vmem>>, vector<16xf32>,
      %get3A_268 = arith.index_cast %add3A_238 : i32 to index
      %get3A_269 = arith.constant 48 : index
      %get3A_270 = tpu.vector_load %arg11[%get3A_268, %get3A_269] {strides = array<i32>} : memref<80x128xi32, #tpu.memory_space<vmem>>, vector<16xi32>,
      %gather3A_271 = tpu.vector_load_idx %arg12[%get3A_270] : memref<10240xf32, #tpu.memory_space<vmem>>[vector<16xi32>], vector<16xf32>,
      %swap3A_272 = arith.constant 48 : index
      %swap3A_273 = tpu.vector_load %arg20[%swap3A_272] {strides = array<i32>} : memref<128xf32, #tpu.memory_space<vmem>>, vector<16xf32>,
      tpu.vector_store %arg20[%swap3A_272], %gather3A_271 {strides = array<i32>} : memref<128xf32, #tpu.memory_space<vmem>>, vector<16xf32>,
      %get3A_274 = arith.index_cast %add3A_238 : i32 to index
      %get3A_275 = arith.constant 64 : index
      %get3A_276 = tpu.vector_load %arg11[%get3A_274, %get3A_275] {strides = array<i32>} : memref<80x128xi32, #tpu.memory_space<vmem>>, vector<16xi32>,
      %gather3A_277 = tpu.vector_load_idx %arg12[%get3A_276] : memref<10240xf32, #tpu.memory_space<vmem>>[vector<16xi32>], vector<16xf32>,
      %swap3A_278 = arith.constant 64 : index
      %swap3A_279 = tpu.vector_load %arg20[%swap3A_278] {strides = array<i32>} : memref<128xf32, #tpu.memory_space<vmem>>, vector<16xf32>,
      tpu.vector_store %arg20[%swap3A_278], %gather3A_277 {strides = array<i32>} : memref<128xf32, #tpu.memory_space<vmem>>, vector<16xf32>,
      %get3A_280 = arith.index_cast %add3A_238 : i32 to index
      %get3A_281 = arith.constant 80 : index
      %get3A_282 = tpu.vector_load %arg11[%get3A_280, %get3A_281] {strides = array<i32>} : memref<80x128xi32, #tpu.memory_space<vmem>>, vector<16xi32>,
      %gather3A_283 = tpu.vector_load_idx %arg12[%get3A_282] : memref<10240xf32, #tpu.memory_space<vmem>>[vector<16xi32>], vector<16xf32>,
      %swap3A_284 = arith.constant 80 : index
      %swap3A_285 = tpu.vector_load %arg20[%swap3A_284] {strides = array<i32>} : memref<128xf32, #tpu.memory_space<vmem>>, vector<16xf32>,
      tpu.vector_store %arg20[%swap3A_284], %gather3A_283 {strides = array<i32>} : memref<128xf32, #tpu.memory_space<vmem>>, vector<16xf32>,
      %get3A_286 = arith.index_cast %add3A_238 : i32 to index
      %get3A_287 = arith.constant 96 : index
      %get3A_288 = tpu.vector_load %arg11[%get3A_286, %get3A_287] {strides = array<i32>} : memref<80x128xi32, #tpu.memory_space<vmem>>, vector<16xi32>,
      %gather3A_289 = tpu.vector_load_idx %arg12[%get3A_288] : memref<10240xf32, #tpu.memory_space<vmem>>[vector<16xi32>], vector<16xf32>,
      %swap3A_290 = arith.constant 96 : index
      %swap3A_291 = tpu.vector_load %arg20[%swap3A_290] {strides = array<i32>} : memref<128xf32, #tpu.memory_space<vmem>>, vector<16xf32>,
      tpu.vector_store %arg20[%swap3A_290], %gather3A_289 {strides = array<i32>} : memref<128xf32, #tpu.memory_space<vmem>>, vector<16xf32>,
      %get3A_292 = arith.index_cast %add3A_238 : i32 to index
      %get3A_293 = arith.constant 112 : index
      %get3A_294 = tpu.vector_load %arg11[%get3A_292, %get3A_293] {strides = array<i32>} : memref<80x128xi32, #tpu.memory_space<vmem>>, vector<16xi32>,
      %gather3A_295 = tpu.vector_load_idx %arg12[%get3A_294] : memref<10240xf32, #tpu.memory_space<vmem>>[vector<16xi32>], vector<16xf32>,
      %swap3A_296 = arith.constant 112 : index
      %swap3A_297 = tpu.vector_load %arg20[%swap3A_296] {strides = array<i32>} : memref<128xf32, #tpu.memory_space<vmem>>, vector<16xf32>,
      tpu.vector_store %arg20[%swap3A_296], %gather3A_295 {strides = array<i32>} : memref<128xf32, #tpu.memory_space<vmem>>, vector<16xf32>,
      %dma_start3A_298 = arith.constant 0 : i32
      %dma_start3A_299 = tpu.memref_slice %arg10[%add3A_238, %dma_start3A_298] : memref<80x128xi32, #tpu.memory_space<vmem>> -> memref<1x128xi32, #tpu.memory_space<vmem>>
      %dma_start3A_300 = tpu.memref_squeeze %dma_start3A_299 : memref<1x128xi32, #tpu.memory_space<vmem>> -> memref<128xi32, #tpu.memory_space<vmem>>
      %dma_start3A_301 = arith.constant 0 : i32
      %dma_start3A_302 = tpu.memref_slice %arg24[%dma_start3A_301] : memref<10240xf32, #tpu.memory_space<vmem_shared>> -> memref<10240xf32, #tpu.memory_space<vmem_shared>>
      tpu.enqueue_indirect_dma source(%arg20 : memref<128xf32, #tpu.memory_space<vmem>>) target(%dma_start3A_302 : memref<10240xf32, #tpu.memory_space<vmem_shared>>) offsets(%dma_start3A_300 : memref<128xi32, #tpu.memory_space<vmem>>) semaphore(%arg37 : memref<!tpu.dma_semaphore, #tpu.memory_space<semaphore_mem>>) {add = true}
      %sub3A_303 = arith.constant 1 : i32
      %sub3A_304 = arith.subi %add3A_238, %sub3A_303 : i32
      %dma_wait3A_305 = arith.constant 0 : i32
      %dma_wait3A_306 = tpu.memref_slice %arg10[%sub3A_304, %dma_wait3A_305] : memref<80x128xi32, #tpu.memory_space<vmem>> -> memref<1x128xi32, #tpu.memory_space<vmem>>
      %dma_wait3A_307 = tpu.memref_squeeze %dma_wait3A_306 : memref<1x128xi32, #tpu.memory_space<vmem>> -> memref<128xi32, #tpu.memory_space<vmem>>
      %dma_wait3A_308 = arith.constant 0 : i32
      %dma_wait3A_309 = arith.constant 0 : i32
      %dma_wait3A_310 = tpu.memref_slice %arg4[%dma_wait3A_308, %dma_wait3A_309] : memref<10240x64xf32, #tpu.memory_space<hbm>> -> memref<10240x64xf32, #tpu.memory_space<hbm>>
      tpu.wait_indirect_dma semaphore(%arg26 : memref<!tpu.dma_semaphore, #tpu.memory_space<semaphore_mem>>) src(%dma_wait3A_310 : memref<10240x64xf32, #tpu.memory_space<hbm>>) dst(%arg14 : memref<128x64xf32, #tpu.memory_space<vmem>>)
      %dma_start3A_311 = arith.constant 0 : i32
      %dma_start3A_312 = tpu.memref_slice %arg11[%sub3A_304, %dma_start3A_311] : memref<80x128xi32, #tpu.memory_space<vmem>> -> memref<1x128xi32, #tpu.memory_space<vmem>>
      %dma_start3A_313 = tpu.memref_squeeze %dma_start3A_312 : memref<1x128xi32, #tpu.memory_space<vmem>> -> memref<128xi32, #tpu.memory_space<vmem>>
      %dma_start3A_314 = arith.constant 0 : i32
      %dma_start3A_315 = arith.constant 0 : i32
      %dma_start3A_316 = tpu.memref_slice %arg23[%dma_start3A_314, %dma_start3A_315] : memref<10240x64xf32, #tpu.memory_space<vmem_shared>> -> memref<10240x64xf32, #tpu.memory_space<vmem_shared>>
      tpu.enqueue_indirect_dma source(%arg14 : memref<128x64xf32, #tpu.memory_space<vmem>>) target(%dma_start3A_316 : memref<10240x64xf32, #tpu.memory_space<vmem_shared>>) offsets(%dma_start3A_313 : memref<128xi32, #tpu.memory_space<vmem>>) semaphore(%arg31 : memref<!tpu.dma_semaphore, #tpu.memory_space<semaphore_mem>>) {add = true}
      %mul3A_317 = arith.constant 5 : i32
      %mul3A_318 = arith.muli %scan3A_86, %mul3A_317 : i32
      %add3A_319 = arith.constant 3 : i32
      %add3A_320 = arith.addi %mul3A_318, %add3A_319 : i32
      %gt3A_321 = arith.constant 0 : i32
      %gt3A_322 = arith.cmpi sgt, %scan3A_86, %gt3A_321 : i32
      %convert_element_type3A_323 = arith.extui %gt3A_322 : i1 to i32
      %cond3A_324 = arith.constant 0 : i32
      %cond3A_325 = arith.cmpi ne, %convert_element_type3A_323, %cond3A_324 : i32
      scf.if %cond3A_325 {
        %dma_wait3A_481 = arith.constant 0 : i32
        %dma_wait3A_482 = arith.constant 0 : i32
        %dma_wait3A_483 = tpu.memref_slice %arg11[%dma_wait3A_481, %dma_wait3A_482] : memref<80x128xi32, #tpu.memory_space<vmem>> -> memref<1x128xi32, #tpu.memory_space<vmem>>
        %dma_wait3A_484 = tpu.memref_squeeze %dma_wait3A_483 : memref<1x128xi32, #tpu.memory_space<vmem>> -> memref<128xi32, #tpu.memory_space<vmem>>
        %dma_wait3A_485 = arith.constant 0 : i32
        %dma_wait3A_486 = arith.constant 0 : i32
        %dma_wait3A_487 = tpu.memref_slice %arg23[%dma_wait3A_485, %dma_wait3A_486] : memref<10240x64xf32, #tpu.memory_space<vmem_shared>> -> memref<10240x64xf32, #tpu.memory_space<vmem_shared>>
        tpu.wait_indirect_dma semaphore(%arg33 : memref<!tpu.dma_semaphore, #tpu.memory_space<semaphore_mem>>) src(%arg16 : memref<128x64xf32, #tpu.memory_space<vmem>>) dst(%dma_wait3A_487 : memref<10240x64xf32, #tpu.memory_space<vmem_shared>>)
        %dma_wait3A_488 = arith.constant 0 : i32
        %dma_wait3A_489 = arith.constant 0 : i32
        %dma_wait3A_490 = tpu.memref_slice %arg10[%dma_wait3A_488, %dma_wait3A_489] : memref<80x128xi32, #tpu.memory_space<vmem>> -> memref<1x128xi32, #tpu.memory_space<vmem>>
        %dma_wait3A_491 = tpu.memref_squeeze %dma_wait3A_490 : memref<1x128xi32, #tpu.memory_space<vmem>> -> memref<128xi32, #tpu.memory_space<vmem>>
        %dma_wait3A_492 = arith.constant 0 : i32
        %dma_wait3A_493 = tpu.memref_slice %arg24[%dma_wait3A_492] : memref<10240xf32, #tpu.memory_space<vmem_shared>> -> memref<10240xf32, #tpu.memory_space<vmem_shared>>
        tpu.wait_indirect_dma semaphore(%arg38 : memref<!tpu.dma_semaphore, #tpu.memory_space<semaphore_mem>>) src(%arg21 : memref<128xf32, #tpu.memory_space<vmem>>) dst(%dma_wait3A_493 : memref<10240xf32, #tpu.memory_space<vmem_shared>>)
      } else {
      }
      %dma_start3A_326 = arith.constant 0 : i32
      %dma_start3A_327 = tpu.memref_slice %arg10[%add3A_320, %dma_start3A_326] : memref<80x128xi32, #tpu.memory_space<vmem>> -> memref<1x128xi32, #tpu.memory_space<vmem>>
      %dma_start3A_328 = tpu.memref_squeeze %dma_start3A_327 : memref<1x128xi32, #tpu.memory_space<vmem>> -> memref<128xi32, #tpu.memory_space<vmem>>
      %dma_start3A_329 = arith.constant 0 : i32
      %dma_start3A_330 = arith.constant 0 : i32
      %dma_start3A_331 = tpu.memref_slice %arg4[%dma_start3A_329, %dma_start3A_330] : memref<10240x64xf32, #tpu.memory_space<hbm>> -> memref<10240x64xf32, #tpu.memory_space<hbm>>
      tpu.enqueue_indirect_dma source(%dma_start3A_331 : memref<10240x64xf32, #tpu.memory_space<hbm>>) target(%arg16 : memref<128x64xf32, #tpu.memory_space<vmem>>) offsets(%dma_start3A_328 : memref<128xi32, #tpu.memory_space<vmem>>) semaphore(%arg28 : memref<!tpu.dma_semaphore, #tpu.memory_space<semaphore_mem>>)
      %get3A_332 = arith.index_cast %add3A_320 : i32 to index
      %get3A_333 = arith.constant 0 : index
      %get3A_334 = tpu.vector_load %arg11[%get3A_332, %get3A_333] {strides = array<i32>} : memref<80x128xi32, #tpu.memory_space<vmem>>, vector<16xi32>,
      %gather3A_335 = tpu.vector_load_idx %arg12[%get3A_334] : memref<10240xf32, #tpu.memory_space<vmem>>[vector<16xi32>], vector<16xf32>,
      %swap3A_336 = arith.constant 0 : index
      %swap3A_337 = tpu.vector_load %arg21[%swap3A_336] {strides = array<i32>} : memref<128xf32, #tpu.memory_space<vmem>>, vector<16xf32>,
      tpu.vector_store %arg21[%swap3A_336], %gather3A_335 {strides = array<i32>} : memref<128xf32, #tpu.memory_space<vmem>>, vector<16xf32>,
      %get3A_338 = arith.index_cast %add3A_320 : i32 to index
      %get3A_339 = arith.constant 16 : index
      %get3A_340 = tpu.vector_load %arg11[%get3A_338, %get3A_339] {strides = array<i32>} : memref<80x128xi32, #tpu.memory_space<vmem>>, vector<16xi32>,
      %gather3A_341 = tpu.vector_load_idx %arg12[%get3A_340] : memref<10240xf32, #tpu.memory_space<vmem>>[vector<16xi32>], vector<16xf32>,
      %swap3A_342 = arith.constant 16 : index
      %swap3A_343 = tpu.vector_load %arg21[%swap3A_342] {strides = array<i32>} : memref<128xf32, #tpu.memory_space<vmem>>, vector<16xf32>,
      tpu.vector_store %arg21[%swap3A_342], %gather3A_341 {strides = array<i32>} : memref<128xf32, #tpu.memory_space<vmem>>, vector<16xf32>,
      %get3A_344 = arith.index_cast %add3A_320 : i32 to index
      %get3A_345 = arith.constant 32 : index
      %get3A_346 = tpu.vector_load %arg11[%get3A_344, %get3A_345] {strides = array<i32>} : memref<80x128xi32, #tpu.memory_space<vmem>>, vector<16xi32>,
      %gather3A_347 = tpu.vector_load_idx %arg12[%get3A_346] : memref<10240xf32, #tpu.memory_space<vmem>>[vector<16xi32>], vector<16xf32>,
      %swap3A_348 = arith.constant 32 : index
      %swap3A_349 = tpu.vector_load %arg21[%swap3A_348] {strides = array<i32>} : memref<128xf32, #tpu.memory_space<vmem>>, vector<16xf32>,
      tpu.vector_store %arg21[%swap3A_348], %gather3A_347 {strides = array<i32>} : memref<128xf32, #tpu.memory_space<vmem>>, vector<16xf32>,
      %get3A_350 = arith.index_cast %add3A_320 : i32 to index
      %get3A_351 = arith.constant 48 : index
      %get3A_352 = tpu.vector_load %arg11[%get3A_350, %get3A_351] {strides = array<i32>} : memref<80x128xi32, #tpu.memory_space<vmem>>, vector<16xi32>,
      %gather3A_353 = tpu.vector_load_idx %arg12[%get3A_352] : memref<10240xf32, #tpu.memory_space<vmem>>[vector<16xi32>], vector<16xf32>,
      %swap3A_354 = arith.constant 48 : index
      %swap3A_355 = tpu.vector_load %arg21[%swap3A_354] {strides = array<i32>} : memref<128xf32, #tpu.memory_space<vmem>>, vector<16xf32>,
      tpu.vector_store %arg21[%swap3A_354], %gather3A_353 {strides = array<i32>} : memref<128xf32, #tpu.memory_space<vmem>>, vector<16xf32>,
      %get3A_356 = arith.index_cast %add3A_320 : i32 to index
      %get3A_357 = arith.constant 64 : index
      %get3A_358 = tpu.vector_load %arg11[%get3A_356, %get3A_357] {strides = array<i32>} : memref<80x128xi32, #tpu.memory_space<vmem>>, vector<16xi32>,
      %gather3A_359 = tpu.vector_load_idx %arg12[%get3A_358] : memref<10240xf32, #tpu.memory_space<vmem>>[vector<16xi32>], vector<16xf32>,
      %swap3A_360 = arith.constant 64 : index
      %swap3A_361 = tpu.vector_load %arg21[%swap3A_360] {strides = array<i32>} : memref<128xf32, #tpu.memory_space<vmem>>, vector<16xf32>,
      tpu.vector_store %arg21[%swap3A_360], %gather3A_359 {strides = array<i32>} : memref<128xf32, #tpu.memory_space<vmem>>, vector<16xf32>,
      %get3A_362 = arith.index_cast %add3A_320 : i32 to index
      %get3A_363 = arith.constant 80 : index
      %get3A_364 = tpu.vector_load %arg11[%get3A_362, %get3A_363] {strides = array<i32>} : memref<80x128xi32, #tpu.memory_space<vmem>>, vector<16xi32>,
      %gather3A_365 = tpu.vector_load_idx %arg12[%get3A_364] : memref<10240xf32, #tpu.memory_space<vmem>>[vector<16xi32>], vector<16xf32>,
      %swap3A_366 = arith.constant 80 : index
      %swap3A_367 = tpu.vector_load %arg21[%swap3A_366] {strides = array<i32>} : memref<128xf32, #tpu.memory_space<vmem>>, vector<16xf32>,
      tpu.vector_store %arg21[%swap3A_366], %gather3A_365 {strides = array<i32>} : memref<128xf32, #tpu.memory_space<vmem>>, vector<16xf32>,
      %get3A_368 = arith.index_cast %add3A_320 : i32 to index
      %get3A_369 = arith.constant 96 : index
      %get3A_370 = tpu.vector_load %arg11[%get3A_368, %get3A_369] {strides = array<i32>} : memref<80x128xi32, #tpu.memory_space<vmem>>, vector<16xi32>,
      %gather3A_371 = tpu.vector_load_idx %arg12[%get3A_370] : memref<10240xf32, #tpu.memory_space<vmem>>[vector<16xi32>], vector<16xf32>,
      %swap3A_372 = arith.constant 96 : index
      %swap3A_373 = tpu.vector_load %arg21[%swap3A_372] {strides = array<i32>} : memref<128xf32, #tpu.memory_space<vmem>>, vector<16xf32>,
      tpu.vector_store %arg21[%swap3A_372], %gather3A_371 {strides = array<i32>} : memref<128xf32, #tpu.memory_space<vmem>>, vector<16xf32>,
      %get3A_374 = arith.index_cast %add3A_320 : i32 to index
      %get3A_375 = arith.constant 112 : index
      %get3A_376 = tpu.vector_load %arg11[%get3A_374, %get3A_375] {strides = array<i32>} : memref<80x128xi32, #tpu.memory_space<vmem>>, vector<16xi32>,
      %gather3A_377 = tpu.vector_load_idx %arg12[%get3A_376] : memref<10240xf32, #tpu.memory_space<vmem>>[vector<16xi32>], vector<16xf32>,
      %swap3A_378 = arith.constant 112 : index
      %swap3A_379 = tpu.vector_load %arg21[%swap3A_378] {strides = array<i32>} : memref<128xf32, #tpu.memory_space<vmem>>, vector<16xf32>,
      tpu.vector_store %arg21[%swap3A_378], %gather3A_377 {strides = array<i32>} : memref<128xf32, #tpu.memory_space<vmem>>, vector<16xf32>,
      %dma_start3A_380 = arith.constant 0 : i32
      %dma_start3A_381 = tpu.memref_slice %arg10[%add3A_320, %dma_start3A_380] : memref<80x128xi32, #tpu.memory_space<vmem>> -> memref<1x128xi32, #tpu.memory_space<vmem>>
      %dma_start3A_382 = tpu.memref_squeeze %dma_start3A_381 : memref<1x128xi32, #tpu.memory_space<vmem>> -> memref<128xi32, #tpu.memory_space<vmem>>
      %dma_start3A_383 = arith.constant 0 : i32
      %dma_start3A_384 = tpu.memref_slice %arg24[%dma_start3A_383] : memref<10240xf32, #tpu.memory_space<vmem_shared>> -> memref<10240xf32, #tpu.memory_space<vmem_shared>>
      tpu.enqueue_indirect_dma source(%arg21 : memref<128xf32, #tpu.memory_space<vmem>>) target(%dma_start3A_384 : memref<10240xf32, #tpu.memory_space<vmem_shared>>) offsets(%dma_start3A_382 : memref<128xi32, #tpu.memory_space<vmem>>) semaphore(%arg38 : memref<!tpu.dma_semaphore, #tpu.memory_space<semaphore_mem>>) {add = true}
      %sub3A_385 = arith.constant 1 : i32
      %sub3A_386 = arith.subi %add3A_320, %sub3A_385 : i32
      %dma_wait3A_387 = arith.constant 0 : i32
      %dma_wait3A_388 = tpu.memref_slice %arg10[%sub3A_386, %dma_wait3A_387] : memref<80x128xi32, #tpu.memory_space<vmem>> -> memref<1x128xi32, #tpu.memory_space<vmem>>
      %dma_wait3A_389 = tpu.memref_squeeze %dma_wait3A_388 : memref<1x128xi32, #tpu.memory_space<vmem>> -> memref<128xi32, #tpu.memory_space<vmem>>
      %dma_wait3A_390 = arith.constant 0 : i32
      %dma_wait3A_391 = arith.constant 0 : i32
      %dma_wait3A_392 = tpu.memref_slice %arg4[%dma_wait3A_390, %dma_wait3A_391] : memref<10240x64xf32, #tpu.memory_space<hbm>> -> memref<10240x64xf32, #tpu.memory_space<hbm>>
      tpu.wait_indirect_dma semaphore(%arg27 : memref<!tpu.dma_semaphore, #tpu.memory_space<semaphore_mem>>) src(%dma_wait3A_392 : memref<10240x64xf32, #tpu.memory_space<hbm>>) dst(%arg15 : memref<128x64xf32, #tpu.memory_space<vmem>>)
      %dma_start3A_393 = arith.constant 0 : i32
      %dma_start3A_394 = tpu.memref_slice %arg11[%sub3A_386, %dma_start3A_393] : memref<80x128xi32, #tpu.memory_space<vmem>> -> memref<1x128xi32, #tpu.memory_space<vmem>>
      %dma_start3A_395 = tpu.memref_squeeze %dma_start3A_394 : memref<1x128xi32, #tpu.memory_space<vmem>> -> memref<128xi32, #tpu.memory_space<vmem>>
      %dma_start3A_396 = arith.constant 0 : i32
      %dma_start3A_397 = arith.constant 0 : i32
      %dma_start3A_398 = tpu.memref_slice %arg23[%dma_start3A_396, %dma_start3A_397] : memref<10240x64xf32, #tpu.memory_space<vmem_shared>> -> memref<10240x64xf32, #tpu.memory_space<vmem_shared>>
      tpu.enqueue_indirect_dma source(%arg15 : memref<128x64xf32, #tpu.memory_space<vmem>>) target(%dma_start3A_398 : memref<10240x64xf32, #tpu.memory_space<vmem_shared>>) offsets(%dma_start3A_395 : memref<128xi32, #tpu.memory_space<vmem>>) semaphore(%arg32 : memref<!tpu.dma_semaphore, #tpu.memory_space<semaphore_mem>>) {add = true}
      %mul3A_399 = arith.constant 5 : i32
      %mul3A_400 = arith.muli %scan3A_86, %mul3A_399 : i32
      %add3A_401 = arith.constant 4 : i32
      %add3A_402 = arith.addi %mul3A_400, %add3A_401 : i32
      %gt3A_403 = arith.constant 0 : i32
      %gt3A_404 = arith.cmpi sgt, %scan3A_86, %gt3A_403 : i32
      %convert_element_type3A_405 = arith.extui %gt3A_404 : i1 to i32
      %cond3A_406 = arith.constant 0 : i32
      %cond3A_407 = arith.cmpi ne, %convert_element_type3A_405, %cond3A_406 : i32
      scf.if %cond3A_407 {
        %dma_wait3A_481 = arith.constant 0 : i32
        %dma_wait3A_482 = arith.constant 0 : i32
        %dma_wait3A_483 = tpu.memref_slice %arg11[%dma_wait3A_481, %dma_wait3A_482] : memref<80x128xi32, #tpu.memory_space<vmem>> -> memref<1x128xi32, #tpu.memory_space<vmem>>
        %dma_wait3A_484 = tpu.memref_squeeze %dma_wait3A_483 : memref<1x128xi32, #tpu.memory_space<vmem>> -> memref<128xi32, #tpu.memory_space<vmem>>
        %dma_wait3A_485 = arith.constant 0 : i32
        %dma_wait3A_486 = arith.constant 0 : i32
        %dma_wait3A_487 = tpu.memref_slice %arg23[%dma_wait3A_485, %dma_wait3A_486] : memref<10240x64xf32, #tpu.memory_space<vmem_shared>> -> memref<10240x64xf32, #tpu.memory_space<vmem_shared>>
        tpu.wait_indirect_dma semaphore(%arg34 : memref<!tpu.dma_semaphore, #tpu.memory_space<semaphore_mem>>) src(%arg17 : memref<128x64xf32, #tpu.memory_space<vmem>>) dst(%dma_wait3A_487 : memref<10240x64xf32, #tpu.memory_space<vmem_shared>>)
        %dma_wait3A_488 = arith.constant 0 : i32
        %dma_wait3A_489 = arith.constant 0 : i32
        %dma_wait3A_490 = tpu.memref_slice %arg10[%dma_wait3A_488, %dma_wait3A_489] : memref<80x128xi32, #tpu.memory_space<vmem>> -> memref<1x128xi32, #tpu.memory_space<vmem>>
        %dma_wait3A_491 = tpu.memref_squeeze %dma_wait3A_490 : memref<1x128xi32, #tpu.memory_space<vmem>> -> memref<128xi32, #tpu.memory_space<vmem>>
        %dma_wait3A_492 = arith.constant 0 : i32
        %dma_wait3A_493 = tpu.memref_slice %arg24[%dma_wait3A_492] : memref<10240xf32, #tpu.memory_space<vmem_shared>> -> memref<10240xf32, #tpu.memory_space<vmem_shared>>
        tpu.wait_indirect_dma semaphore(%arg39 : memref<!tpu.dma_semaphore, #tpu.memory_space<semaphore_mem>>) src(%arg22 : memref<128xf32, #tpu.memory_space<vmem>>) dst(%dma_wait3A_493 : memref<10240xf32, #tpu.memory_space<vmem_shared>>)
      } else {
      }
      %dma_start3A_408 = arith.constant 0 : i32
      %dma_start3A_409 = tpu.memref_slice %arg10[%add3A_402, %dma_start3A_408] : memref<80x128xi32, #tpu.memory_space<vmem>> -> memref<1x128xi32, #tpu.memory_space<vmem>>
      %dma_start3A_410 = tpu.memref_squeeze %dma_start3A_409 : memref<1x128xi32, #tpu.memory_space<vmem>> -> memref<128xi32, #tpu.memory_space<vmem>>
      %dma_start3A_411 = arith.constant 0 : i32
      %dma_start3A_412 = arith.constant 0 : i32
      %dma_start3A_413 = tpu.memref_slice %arg4[%dma_start3A_411, %dma_start3A_412] : memref<10240x64xf32, #tpu.memory_space<hbm>> -> memref<10240x64xf32, #tpu.memory_space<hbm>>
      tpu.enqueue_indirect_dma source(%dma_start3A_413 : memref<10240x64xf32, #tpu.memory_space<hbm>>) target(%arg17 : memref<128x64xf32, #tpu.memory_space<vmem>>) offsets(%dma_start3A_410 : memref<128xi32, #tpu.memory_space<vmem>>) semaphore(%arg29 : memref<!tpu.dma_semaphore, #tpu.memory_space<semaphore_mem>>)
      %get3A_414 = arith.index_cast %add3A_402 : i32 to index
      %get3A_415 = arith.constant 0 : index
      %get3A_416 = tpu.vector_load %arg11[%get3A_414, %get3A_415] {strides = array<i32>} : memref<80x128xi32, #tpu.memory_space<vmem>>, vector<16xi32>,
      %gather3A_417 = tpu.vector_load_idx %arg12[%get3A_416] : memref<10240xf32, #tpu.memory_space<vmem>>[vector<16xi32>], vector<16xf32>,
      %swap3A_418 = arith.constant 0 : index
      %swap3A_419 = tpu.vector_load %arg22[%swap3A_418] {strides = array<i32>} : memref<128xf32, #tpu.memory_space<vmem>>, vector<16xf32>,
      tpu.vector_store %arg22[%swap3A_418], %gather3A_417 {strides = array<i32>} : memref<128xf32, #tpu.memory_space<vmem>>, vector<16xf32>,
      %get3A_420 = arith.index_cast %add3A_402 : i32 to index
      %get3A_421 = arith.constant 16 : index
      %get3A_422 = tpu.vector_load %arg11[%get3A_420, %get3A_421] {strides = array<i32>} : memref<80x128xi32, #tpu.memory_space<vmem>>, vector<16xi32>,
      %gather3A_423 = tpu.vector_load_idx %arg12[%get3A_422] : memref<10240xf32, #tpu.memory_space<vmem>>[vector<16xi32>], vector<16xf32>,
      %swap3A_424 = arith.constant 16 : index
      %swap3A_425 = tpu.vector_load %arg22[%swap3A_424] {strides = array<i32>} : memref<128xf32, #tpu.memory_space<vmem>>, vector<16xf32>,
      tpu.vector_store %arg22[%swap3A_424], %gather3A_423 {strides = array<i32>} : memref<128xf32, #tpu.memory_space<vmem>>, vector<16xf32>,
      %get3A_426 = arith.index_cast %add3A_402 : i32 to index
      %get3A_427 = arith.constant 32 : index
      %get3A_428 = tpu.vector_load %arg11[%get3A_426, %get3A_427] {strides = array<i32>} : memref<80x128xi32, #tpu.memory_space<vmem>>, vector<16xi32>,
      %gather3A_429 = tpu.vector_load_idx %arg12[%get3A_428] : memref<10240xf32, #tpu.memory_space<vmem>>[vector<16xi32>], vector<16xf32>,
      %swap3A_430 = arith.constant 32 : index
      %swap3A_431 = tpu.vector_load %arg22[%swap3A_430] {strides = array<i32>} : memref<128xf32, #tpu.memory_space<vmem>>, vector<16xf32>,
      tpu.vector_store %arg22[%swap3A_430], %gather3A_429 {strides = array<i32>} : memref<128xf32, #tpu.memory_space<vmem>>, vector<16xf32>,
      %get3A_432 = arith.index_cast %add3A_402 : i32 to index
      %get3A_433 = arith.constant 48 : index
      %get3A_434 = tpu.vector_load %arg11[%get3A_432, %get3A_433] {strides = array<i32>} : memref<80x128xi32, #tpu.memory_space<vmem>>, vector<16xi32>,
      %gather3A_435 = tpu.vector_load_idx %arg12[%get3A_434] : memref<10240xf32, #tpu.memory_space<vmem>>[vector<16xi32>], vector<16xf32>,
      %swap3A_436 = arith.constant 48 : index
      %swap3A_437 = tpu.vector_load %arg22[%swap3A_436] {strides = array<i32>} : memref<128xf32, #tpu.memory_space<vmem>>, vector<16xf32>,
      tpu.vector_store %arg22[%swap3A_436], %gather3A_435 {strides = array<i32>} : memref<128xf32, #tpu.memory_space<vmem>>, vector<16xf32>,
      %get3A_438 = arith.index_cast %add3A_402 : i32 to index
      %get3A_439 = arith.constant 64 : index
      %get3A_440 = tpu.vector_load %arg11[%get3A_438, %get3A_439] {strides = array<i32>} : memref<80x128xi32, #tpu.memory_space<vmem>>, vector<16xi32>,
      %gather3A_441 = tpu.vector_load_idx %arg12[%get3A_440] : memref<10240xf32, #tpu.memory_space<vmem>>[vector<16xi32>], vector<16xf32>,
      %swap3A_442 = arith.constant 64 : index
      %swap3A_443 = tpu.vector_load %arg22[%swap3A_442] {strides = array<i32>} : memref<128xf32, #tpu.memory_space<vmem>>, vector<16xf32>,
      tpu.vector_store %arg22[%swap3A_442], %gather3A_441 {strides = array<i32>} : memref<128xf32, #tpu.memory_space<vmem>>, vector<16xf32>,
      %get3A_444 = arith.index_cast %add3A_402 : i32 to index
      %get3A_445 = arith.constant 80 : index
      %get3A_446 = tpu.vector_load %arg11[%get3A_444, %get3A_445] {strides = array<i32>} : memref<80x128xi32, #tpu.memory_space<vmem>>, vector<16xi32>,
      %gather3A_447 = tpu.vector_load_idx %arg12[%get3A_446] : memref<10240xf32, #tpu.memory_space<vmem>>[vector<16xi32>], vector<16xf32>,
      %swap3A_448 = arith.constant 80 : index
      %swap3A_449 = tpu.vector_load %arg22[%swap3A_448] {strides = array<i32>} : memref<128xf32, #tpu.memory_space<vmem>>, vector<16xf32>,
      tpu.vector_store %arg22[%swap3A_448], %gather3A_447 {strides = array<i32>} : memref<128xf32, #tpu.memory_space<vmem>>, vector<16xf32>,
      %get3A_450 = arith.index_cast %add3A_402 : i32 to index
      %get3A_451 = arith.constant 96 : index
      %get3A_452 = tpu.vector_load %arg11[%get3A_450, %get3A_451] {strides = array<i32>} : memref<80x128xi32, #tpu.memory_space<vmem>>, vector<16xi32>,
      %gather3A_453 = tpu.vector_load_idx %arg12[%get3A_452] : memref<10240xf32, #tpu.memory_space<vmem>>[vector<16xi32>], vector<16xf32>,
      %swap3A_454 = arith.constant 96 : index
      %swap3A_455 = tpu.vector_load %arg22[%swap3A_454] {strides = array<i32>} : memref<128xf32, #tpu.memory_space<vmem>>, vector<16xf32>,
      tpu.vector_store %arg22[%swap3A_454], %gather3A_453 {strides = array<i32>} : memref<128xf32, #tpu.memory_space<vmem>>, vector<16xf32>,
      %get3A_456 = arith.index_cast %add3A_402 : i32 to index
      %get3A_457 = arith.constant 112 : index
      %get3A_458 = tpu.vector_load %arg11[%get3A_456, %get3A_457] {strides = array<i32>} : memref<80x128xi32, #tpu.memory_space<vmem>>, vector<16xi32>,
      %gather3A_459 = tpu.vector_load_idx %arg12[%get3A_458] : memref<10240xf32, #tpu.memory_space<vmem>>[vector<16xi32>], vector<16xf32>,
      %swap3A_460 = arith.constant 112 : index
      %swap3A_461 = tpu.vector_load %arg22[%swap3A_460] {strides = array<i32>} : memref<128xf32, #tpu.memory_space<vmem>>, vector<16xf32>,
      tpu.vector_store %arg22[%swap3A_460], %gather3A_459 {strides = array<i32>} : memref<128xf32, #tpu.memory_space<vmem>>, vector<16xf32>,
      %dma_start3A_462 = arith.constant 0 : i32
      %dma_start3A_463 = tpu.memref_slice %arg10[%add3A_402, %dma_start3A_462] : memref<80x128xi32, #tpu.memory_space<vmem>> -> memref<1x128xi32, #tpu.memory_space<vmem>>
      %dma_start3A_464 = tpu.memref_squeeze %dma_start3A_463 : memref<1x128xi32, #tpu.memory_space<vmem>> -> memref<128xi32, #tpu.memory_space<vmem>>
      %dma_start3A_465 = arith.constant 0 : i32
      %dma_start3A_466 = tpu.memref_slice %arg24[%dma_start3A_465] : memref<10240xf32, #tpu.memory_space<vmem_shared>> -> memref<10240xf32, #tpu.memory_space<vmem_shared>>
      tpu.enqueue_indirect_dma source(%arg22 : memref<128xf32, #tpu.memory_space<vmem>>) target(%dma_start3A_466 : memref<10240xf32, #tpu.memory_space<vmem_shared>>) offsets(%dma_start3A_464 : memref<128xi32, #tpu.memory_space<vmem>>) semaphore(%arg39 : memref<!tpu.dma_semaphore, #tpu.memory_space<semaphore_mem>>) {add = true}
      %sub3A_467 = arith.constant 1 : i32
      %sub3A_468 = arith.subi %add3A_402, %sub3A_467 : i32
      %dma_wait3A_469 = arith.constant 0 : i32
      %dma_wait3A_470 = tpu.memref_slice %arg10[%sub3A_468, %dma_wait3A_469] : memref<80x128xi32, #tpu.memory_space<vmem>> -> memref<1x128xi32, #tpu.memory_space<vmem>>
      %dma_wait3A_471 = tpu.memref_squeeze %dma_wait3A_470 : memref<1x128xi32, #tpu.memory_space<vmem>> -> memref<128xi32, #tpu.memory_space<vmem>>
      %dma_wait3A_472 = arith.constant 0 : i32
      %dma_wait3A_473 = arith.constant 0 : i32
      %dma_wait3A_474 = tpu.memref_slice %arg4[%dma_wait3A_472, %dma_wait3A_473] : memref<10240x64xf32, #tpu.memory_space<hbm>> -> memref<10240x64xf32, #tpu.memory_space<hbm>>
      tpu.wait_indirect_dma semaphore(%arg28 : memref<!tpu.dma_semaphore, #tpu.memory_space<semaphore_mem>>) src(%dma_wait3A_474 : memref<10240x64xf32, #tpu.memory_space<hbm>>) dst(%arg16 : memref<128x64xf32, #tpu.memory_space<vmem>>)
      %dma_start3A_475 = arith.constant 0 : i32
      %dma_start3A_476 = tpu.memref_slice %arg11[%sub3A_468, %dma_start3A_475] : memref<80x128xi32, #tpu.memory_space<vmem>> -> memref<1x128xi32, #tpu.memory_space<vmem>>
      %dma_start3A_477 = tpu.memref_squeeze %dma_start3A_476 : memref<1x128xi32, #tpu.memory_space<vmem>> -> memref<128xi32, #tpu.memory_space<vmem>>
      %dma_start3A_478 = arith.constant 0 : i32
      %dma_start3A_479 = arith.constant 0 : i32
      %dma_start3A_480 = tpu.memref_slice %arg23[%dma_start3A_478, %dma_start3A_479] : memref<10240x64xf32, #tpu.memory_space<vmem_shared>> -> memref<10240x64xf32, #tpu.memory_space<vmem_shared>>
      tpu.enqueue_indirect_dma source(%arg16 : memref<128x64xf32, #tpu.memory_space<vmem>>) target(%dma_start3A_480 : memref<10240x64xf32, #tpu.memory_space<vmem_shared>>) offsets(%dma_start3A_477 : memref<128xi32, #tpu.memory_space<vmem>>) semaphore(%arg33 : memref<!tpu.dma_semaphore, #tpu.memory_space<semaphore_mem>>) {add = true}
    }
    %scan3A_7 = arith.constant 16 : i32
    %dma_wait3A = arith.constant 79 : i32
    %dma_wait3A_8 = arith.constant 0 : i32
    %dma_wait3A_9 = tpu.memref_slice %arg10[%dma_wait3A, %dma_wait3A_8] : memref<80x128xi32, #tpu.memory_space<vmem>> -> memref<1x128xi32, #tpu.memory_space<vmem>>
    %dma_wait3A_10 = tpu.memref_squeeze %dma_wait3A_9 : memref<1x128xi32, #tpu.memory_space<vmem>> -> memref<128xi32, #tpu.memory_space<vmem>>
    %dma_wait3A_11 = arith.constant 0 : i32
    %dma_wait3A_12 = arith.constant 0 : i32
    %dma_wait3A_13 = tpu.memref_slice %arg4[%dma_wait3A_11, %dma_wait3A_12] : memref<10240x64xf32, #tpu.memory_space<hbm>> -> memref<10240x64xf32, #tpu.memory_space<hbm>>
    tpu.wait_indirect_dma semaphore(%arg29 : memref<!tpu.dma_semaphore, #tpu.memory_space<semaphore_mem>>) src(%dma_wait3A_13 : memref<10240x64xf32, #tpu.memory_space<hbm>>) dst(%arg17 : memref<128x64xf32, #tpu.memory_space<vmem>>)
    %dma_start3A = arith.constant 79 : i32
    %dma_start3A_14 = arith.constant 0 : i32
    %dma_start3A_15 = tpu.memref_slice %arg11[%dma_start3A, %dma_start3A_14] : memref<80x128xi32, #tpu.memory_space<vmem>> -> memref<1x128xi32, #tpu.memory_space<vmem>>
    %dma_start3A_16 = tpu.memref_squeeze %dma_start3A_15 : memref<1x128xi32, #tpu.memory_space<vmem>> -> memref<128xi32, #tpu.memory_space<vmem>>
    %dma_start3A_17 = arith.constant 0 : i32
    %dma_start3A_18 = arith.constant 0 : i32
    %dma_start3A_19 = tpu.memref_slice %arg23[%dma_start3A_17, %dma_start3A_18] : memref<10240x64xf32, #tpu.memory_space<vmem_shared>> -> memref<10240x64xf32, #tpu.memory_space<vmem_shared>>
    tpu.enqueue_indirect_dma source(%arg17 : memref<128x64xf32, #tpu.memory_space<vmem>>) target(%dma_start3A_19 : memref<10240x64xf32, #tpu.memory_space<vmem_shared>>) offsets(%dma_start3A_16 : memref<128xi32, #tpu.memory_space<vmem>>) semaphore(%arg34 : memref<!tpu.dma_semaphore, #tpu.memory_space<semaphore_mem>>) {add = true}
    %dma_wait3A_20 = arith.constant 0 : i32
    %dma_wait3A_21 = arith.constant 0 : i32
    %dma_wait3A_22 = tpu.memref_slice %arg11[%dma_wait3A_20, %dma_wait3A_21] : memref<80x128xi32, #tpu.memory_space<vmem>> -> memref<1x128xi32, #tpu.memory_space<vmem>>
    %dma_wait3A_23 = tpu.memref_squeeze %dma_wait3A_22 : memref<1x128xi32, #tpu.memory_space<vmem>> -> memref<128xi32, #tpu.memory_space<vmem>>
    %dma_wait3A_24 = arith.constant 0 : i32
    %dma_wait3A_25 = arith.constant 0 : i32
    %dma_wait3A_26 = tpu.memref_slice %arg23[%dma_wait3A_24, %dma_wait3A_25] : memref<10240x64xf32, #tpu.memory_space<vmem_shared>> -> memref<10240x64xf32, #tpu.memory_space<vmem_shared>>
    tpu.wait_indirect_dma semaphore(%arg30 : memref<!tpu.dma_semaphore, #tpu.memory_space<semaphore_mem>>) src(%arg13 : memref<128x64xf32, #tpu.memory_space<vmem>>) dst(%dma_wait3A_26 : memref<10240x64xf32, #tpu.memory_space<vmem_shared>>)
    %dma_wait3A_27 = arith.constant 0 : i32
    %dma_wait3A_28 = arith.constant 0 : i32
    %dma_wait3A_29 = tpu.memref_slice %arg10[%dma_wait3A_27, %dma_wait3A_28] : memref<80x128xi32, #tpu.memory_space<vmem>> -> memref<1x128xi32, #tpu.memory_space<vmem>>
    %dma_wait3A_30 = tpu.memref_squeeze %dma_wait3A_29 : memref<1x128xi32, #tpu.memory_space<vmem>> -> memref<128xi32, #tpu.memory_space<vmem>>
    %dma_wait3A_31 = arith.constant 0 : i32
    %dma_wait3A_32 = tpu.memref_slice %arg24[%dma_wait3A_31] : memref<10240xf32, #tpu.memory_space<vmem_shared>> -> memref<10240xf32, #tpu.memory_space<vmem_shared>>
    tpu.wait_indirect_dma semaphore(%arg35 : memref<!tpu.dma_semaphore, #tpu.memory_space<semaphore_mem>>) src(%arg18 : memref<128xf32, #tpu.memory_space<vmem>>) dst(%dma_wait3A_32 : memref<10240xf32, #tpu.memory_space<vmem_shared>>)
    %dma_wait3A_33 = arith.constant 0 : i32
    %dma_wait3A_34 = arith.constant 0 : i32
    %dma_wait3A_35 = tpu.memref_slice %arg11[%dma_wait3A_33, %dma_wait3A_34] : memref<80x128xi32, #tpu.memory_space<vmem>> -> memref<1x128xi32, #tpu.memory_space<vmem>>
    %dma_wait3A_36 = tpu.memref_squeeze %dma_wait3A_35 : memref<1x128xi32, #tpu.memory_space<vmem>> -> memref<128xi32, #tpu.memory_space<vmem>>
    %dma_wait3A_37 = arith.constant 0 : i32
    %dma_wait3A_38 = arith.constant 0 : i32
    %dma_wait3A_39 = tpu.memref_slice %arg23[%dma_wait3A_37, %dma_wait3A_38] : memref<10240x64xf32, #tpu.memory_space<vmem_shared>> -> memref<10240x64xf32, #tpu.memory_space<vmem_shared>>
    tpu.wait_indirect_dma semaphore(%arg31 : memref<!tpu.dma_semaphore, #tpu.memory_space<semaphore_mem>>) src(%arg14 : memref<128x64xf32, #tpu.memory_space<vmem>>) dst(%dma_wait3A_39 : memref<10240x64xf32, #tpu.memory_space<vmem_shared>>)
    %dma_wait3A_40 = arith.constant 0 : i32
    %dma_wait3A_41 = arith.constant 0 : i32
    %dma_wait3A_42 = tpu.memref_slice %arg10[%dma_wait3A_40, %dma_wait3A_41] : memref<80x128xi32, #tpu.memory_space<vmem>> -> memref<1x128xi32, #tpu.memory_space<vmem>>
    %dma_wait3A_43 = tpu.memref_squeeze %dma_wait3A_42 : memref<1x128xi32, #tpu.memory_space<vmem>> -> memref<128xi32, #tpu.memory_space<vmem>>
    %dma_wait3A_44 = arith.constant 0 : i32
    %dma_wait3A_45 = tpu.memref_slice %arg24[%dma_wait3A_44] : memref<10240xf32, #tpu.memory_space<vmem_shared>> -> memref<10240xf32, #tpu.memory_space<vmem_shared>>
    tpu.wait_indirect_dma semaphore(%arg36 : memref<!tpu.dma_semaphore, #tpu.memory_space<semaphore_mem>>) src(%arg19 : memref<128xf32, #tpu.memory_space<vmem>>) dst(%dma_wait3A_45 : memref<10240xf32, #tpu.memory_space<vmem_shared>>)
    %dma_wait3A_46 = arith.constant 0 : i32
    %dma_wait3A_47 = arith.constant 0 : i32
    %dma_wait3A_48 = tpu.memref_slice %arg11[%dma_wait3A_46, %dma_wait3A_47] : memref<80x128xi32, #tpu.memory_space<vmem>> -> memref<1x128xi32, #tpu.memory_space<vmem>>
    %dma_wait3A_49 = tpu.memref_squeeze %dma_wait3A_48 : memref<1x128xi32, #tpu.memory_space<vmem>> -> memref<128xi32, #tpu.memory_space<vmem>>
    %dma_wait3A_50 = arith.constant 0 : i32
    %dma_wait3A_51 = arith.constant 0 : i32
    %dma_wait3A_52 = tpu.memref_slice %arg23[%dma_wait3A_50, %dma_wait3A_51] : memref<10240x64xf32, #tpu.memory_space<vmem_shared>> -> memref<10240x64xf32, #tpu.memory_space<vmem_shared>>
    tpu.wait_indirect_dma semaphore(%arg32 : memref<!tpu.dma_semaphore, #tpu.memory_space<semaphore_mem>>) src(%arg15 : memref<128x64xf32, #tpu.memory_space<vmem>>) dst(%dma_wait3A_52 : memref<10240x64xf32, #tpu.memory_space<vmem_shared>>)
    %dma_wait3A_53 = arith.constant 0 : i32
    %dma_wait3A_54 = arith.constant 0 : i32
    %dma_wait3A_55 = tpu.memref_slice %arg10[%dma_wait3A_53, %dma_wait3A_54] : memref<80x128xi32, #tpu.memory_space<vmem>> -> memref<1x128xi32, #tpu.memory_space<vmem>>
    %dma_wait3A_56 = tpu.memref_squeeze %dma_wait3A_55 : memref<1x128xi32, #tpu.memory_space<vmem>> -> memref<128xi32, #tpu.memory_space<vmem>>
    %dma_wait3A_57 = arith.constant 0 : i32
    %dma_wait3A_58 = tpu.memref_slice %arg24[%dma_wait3A_57] : memref<10240xf32, #tpu.memory_space<vmem_shared>> -> memref<10240xf32, #tpu.memory_space<vmem_shared>>
    tpu.wait_indirect_dma semaphore(%arg37 : memref<!tpu.dma_semaphore, #tpu.memory_space<semaphore_mem>>) src(%arg20 : memref<128xf32, #tpu.memory_space<vmem>>) dst(%dma_wait3A_58 : memref<10240xf32, #tpu.memory_space<vmem_shared>>)
    %dma_wait3A_59 = arith.constant 0 : i32
    %dma_wait3A_60 = arith.constant 0 : i32
    %dma_wait3A_61 = tpu.memref_slice %arg11[%dma_wait3A_59, %dma_wait3A_60] : memref<80x128xi32, #tpu.memory_space<vmem>> -> memref<1x128xi32, #tpu.memory_space<vmem>>
    %dma_wait3A_62 = tpu.memref_squeeze %dma_wait3A_61 : memref<1x128xi32, #tpu.memory_space<vmem>> -> memref<128xi32, #tpu.memory_space<vmem>>
    %dma_wait3A_63 = arith.constant 0 : i32
    %dma_wait3A_64 = arith.constant 0 : i32
    %dma_wait3A_65 = tpu.memref_slice %arg23[%dma_wait3A_63, %dma_wait3A_64] : memref<10240x64xf32, #tpu.memory_space<vmem_shared>> -> memref<10240x64xf32, #tpu.memory_space<vmem_shared>>
    tpu.wait_indirect_dma semaphore(%arg33 : memref<!tpu.dma_semaphore, #tpu.memory_space<semaphore_mem>>) src(%arg16 : memref<128x64xf32, #tpu.memory_space<vmem>>) dst(%dma_wait3A_65 : memref<10240x64xf32, #tpu.memory_space<vmem_shared>>)
    %dma_wait3A_66 = arith.constant 0 : i32
    %dma_wait3A_67 = arith.constant 0 : i32
    %dma_wait3A_68 = tpu.memref_slice %arg10[%dma_wait3A_66, %dma_wait3A_67] : memref<80x128xi32, #tpu.memory_space<vmem>> -> memref<1x128xi32, #tpu.memory_space<vmem>>
    %dma_wait3A_69 = tpu.memref_squeeze %dma_wait3A_68 : memref<1x128xi32, #tpu.memory_space<vmem>> -> memref<128xi32, #tpu.memory_space<vmem>>
    %dma_wait3A_70 = arith.constant 0 : i32
    %dma_wait3A_71 = tpu.memref_slice %arg24[%dma_wait3A_70] : memref<10240xf32, #tpu.memory_space<vmem_shared>> -> memref<10240xf32, #tpu.memory_space<vmem_shared>>
    tpu.wait_indirect_dma semaphore(%arg38 : memref<!tpu.dma_semaphore, #tpu.memory_space<semaphore_mem>>) src(%arg21 : memref<128xf32, #tpu.memory_space<vmem>>) dst(%dma_wait3A_71 : memref<10240xf32, #tpu.memory_space<vmem_shared>>)
    %dma_wait3A_72 = arith.constant 0 : i32
    %dma_wait3A_73 = arith.constant 0 : i32
    %dma_wait3A_74 = tpu.memref_slice %arg11[%dma_wait3A_72, %dma_wait3A_73] : memref<80x128xi32, #tpu.memory_space<vmem>> -> memref<1x128xi32, #tpu.memory_space<vmem>>
    %dma_wait3A_75 = tpu.memref_squeeze %dma_wait3A_74 : memref<1x128xi32, #tpu.memory_space<vmem>> -> memref<128xi32, #tpu.memory_space<vmem>>
    %dma_wait3A_76 = arith.constant 0 : i32
    %dma_wait3A_77 = arith.constant 0 : i32
    %dma_wait3A_78 = tpu.memref_slice %arg23[%dma_wait3A_76, %dma_wait3A_77] : memref<10240x64xf32, #tpu.memory_space<vmem_shared>> -> memref<10240x64xf32, #tpu.memory_space<vmem_shared>>
    tpu.wait_indirect_dma semaphore(%arg34 : memref<!tpu.dma_semaphore, #tpu.memory_space<semaphore_mem>>) src(%arg17 : memref<128x64xf32, #tpu.memory_space<vmem>>) dst(%dma_wait3A_78 : memref<10240x64xf32, #tpu.memory_space<vmem_shared>>)
    %dma_wait3A_79 = arith.constant 0 : i32
    %dma_wait3A_80 = arith.constant 0 : i32
    %dma_wait3A_81 = tpu.memref_slice %arg10[%dma_wait3A_79, %dma_wait3A_80] : memref<80x128xi32, #tpu.memory_space<vmem>> -> memref<1x128xi32, #tpu.memory_space<vmem>>
    %dma_wait3A_82 = tpu.memref_squeeze %dma_wait3A_81 : memref<1x128xi32, #tpu.memory_space<vmem>> -> memref<128xi32, #tpu.memory_space<vmem>>
    %dma_wait3A_83 = arith.constant 0 : i32
    %dma_wait3A_84 = tpu.memref_slice %arg24[%dma_wait3A_83] : memref<10240xf32, #tpu.memory_space<vmem_shared>> -> memref<10240xf32, #tpu.memory_space<vmem_shared>>
    tpu.wait_indirect_dma semaphore(%arg39 : memref<!tpu.dma_semaphore, #tpu.memory_space<semaphore_mem>>) src(%arg22 : memref<128xf32, #tpu.memory_space<vmem>>) dst(%dma_wait3A_84 : memref<10240xf32, #tpu.memory_space<vmem_shared>>)
    %barrier3A_85 = arith.constant 0 : index
    tpu.barrier barrier_id(%barrier3A_85)
    "tpu.region"() ({
      %run_scoped3A = tpu.sem_alloc : memref<!tpu.dma_semaphore, #tpu.memory_space<semaphore_mem>>
      %dma_start3A_86 = arith.constant 0 : i32
      %dma_start3A_87 = tpu.memref_slice %arg8[%arg0, %mul3A_2, %dma_start3A_86] : memref<2x10240x64xf32, #tpu.memory_space<hbm>> -> memref<1x640x64xf32, #tpu.memory_space<hbm>>
      %dma_start3A_88 = tpu.memref_squeeze %dma_start3A_87 : memref<1x640x64xf32, #tpu.memory_space<hbm>> -> memref<640x64xf32, #tpu.memory_space<hbm>>
      %dma_start3A_89 = arith.constant 0 : i32
      %dma_start3A_90 = tpu.memref_slice %arg23[%mul3A_2, %dma_start3A_89] : memref<10240x64xf32, #tpu.memory_space<vmem_shared>> -> memref<640x64xf32, #tpu.memory_space<vmem_shared>>
      tpu.enqueue_dma source(%dma_start3A_90 : memref<640x64xf32, #tpu.memory_space<vmem_shared>>) target(%dma_start3A_88 : memref<640x64xf32, #tpu.memory_space<hbm>>) target_semaphore(%run_scoped3A : memref<!tpu.dma_semaphore, #tpu.memory_space<semaphore_mem>>)
      %dma_wait3A_91 = arith.constant 0 : i32
      %dma_wait3A_92 = tpu.memref_slice %arg8[%arg0, %mul3A_2, %dma_wait3A_91] : memref<2x10240x64xf32, #tpu.memory_space<hbm>> -> memref<1x640x64xf32, #tpu.memory_space<hbm>>
      %dma_wait3A_93 = tpu.memref_squeeze %dma_wait3A_92 : memref<1x640x64xf32, #tpu.memory_space<hbm>> -> memref<640x64xf32, #tpu.memory_space<hbm>>
      %dma_wait3A_94 = arith.constant 0 : i32
      %dma_wait3A_95 = tpu.memref_slice %arg23[%mul3A_2, %dma_wait3A_94] : memref<10240x64xf32, #tpu.memory_space<vmem_shared>> -> memref<640x64xf32, #tpu.memory_space<vmem_shared>>
      tpu.wait_dma2 semaphore(%run_scoped3A : memref<!tpu.dma_semaphore, #tpu.memory_space<semaphore_mem>>) src(%dma_wait3A_95 : memref<640x64xf32, #tpu.memory_space<vmem_shared>>) dst(%dma_wait3A_93 : memref<640x64xf32, #tpu.memory_space<hbm>>)
      tpu.yield
    }) : () -> ()
    "tpu.region"() ({
      %run_scoped3A = tpu.sem_alloc : memref<!tpu.dma_semaphore, #tpu.memory_space<semaphore_mem>>
      %dma_start3A_86 = tpu.memref_slice %arg9[%arg0, %mul3A_2] : memref<2x10240xf32, #tpu.memory_space<hbm>> -> memref<1x640xf32, #tpu.memory_space<hbm>>
      %dma_start3A_87 = tpu.memref_squeeze %dma_start3A_86 : memref<1x640xf32, #tpu.memory_space<hbm>> -> memref<640xf32, #tpu.memory_space<hbm>>
      %dma_start3A_88 = tpu.memref_slice %arg24[%mul3A_2] : memref<10240xf32, #tpu.memory_space<vmem_shared>> -> memref<640xf32, #tpu.memory_space<vmem_shared>>
      tpu.enqueue_dma source(%dma_start3A_88 : memref<640xf32, #tpu.memory_space<vmem_shared>>) target(%dma_start3A_87 : memref<640xf32, #tpu.memory_space<hbm>>) target_semaphore(%run_scoped3A : memref<!tpu.dma_semaphore, #tpu.memory_space<semaphore_mem>>)
      %dma_wait3A_89 = tpu.memref_slice %arg9[%arg0, %mul3A_2] : memref<2x10240xf32, #tpu.memory_space<hbm>> -> memref<1x640xf32, #tpu.memory_space<hbm>>
      %dma_wait3A_90 = tpu.memref_squeeze %dma_wait3A_89 : memref<1x640xf32, #tpu.memory_space<hbm>> -> memref<640xf32, #tpu.memory_space<hbm>>
      %dma_wait3A_91 = tpu.memref_slice %arg24[%mul3A_2] : memref<10240xf32, #tpu.memory_space<vmem_shared>> -> memref<640xf32, #tpu.memory_space<vmem_shared>>
      tpu.wait_dma2 semaphore(%run_scoped3A : memref<!tpu.dma_semaphore, #tpu.memory_space<semaphore_mem>>) src(%dma_wait3A_91 : memref<640xf32, #tpu.memory_space<vmem_shared>>) dst(%dma_wait3A_90 : memref<640xf32, #tpu.memory_space<hbm>>)
      tpu.yield
    }) : () -> ()
    return
  }
}

#map = affine_map<(d0, d1) -> (0, 0, 0)>
#map1 = affine_map<(d0, d1) -> (0)>
#map2 = affine_map<(d0, d1) -> (0, 0)>
module attributes {stable_mosaic.version = 14 : i64} {
  func.func @_deg_pass(%arg0: i32, %arg1: i32, %arg2: memref<32x80x128xi32, #tpu.memory_space<hbm>>, %arg3: memref<10240xf32, #tpu.memory_space<hbm>>, %arg4: memref<2x10240xf32, #tpu.memory_space<hbm>>, %arg5: memref<80x128xi32, #tpu.memory_space<vmem>>, %arg6: memref<128xf32, #tpu.memory_space<vmem>>, %arg7: memref<10240xf32, #tpu.memory_space<vmem_shared>>, %arg8: memref<!tpu.dma_semaphore, #tpu.memory_space<semaphore_mem>>, %arg9: memref<!tpu.dma_semaphore, #tpu.memory_space<semaphore_mem>>, %arg10: memref<!tpu.dma_semaphore, #tpu.memory_space<semaphore_mem>>, %arg11: memref<!tpu.dma_semaphore, #tpu.memory_space<semaphore_mem>>, %arg12: memref<!tpu.dma_semaphore, #tpu.memory_space<semaphore_mem>>) attributes {dimension_semantics = [#tpu.dimension_semantics<core_parallel>, #tpu.dimension_semantics<subcore_parallel>], iteration_bounds = array<i64: 2, 16>, scalar_prefetch = 0 : i64, scratch_operands = 8 : i64, tpu.core_type = #tpu.core_type<sc_vector_subcore>, window_params = [{transform_indices = #map}, {transform_indices = #map1}, {transform_indices = #map2}]} {
    %mul3A = arith.constant 2 : i32
    %mul3A_0 = arith.muli %arg1, %mul3A : i32
    %add3A = arith.addi %mul3A_0, %arg0 : i32
    %mul3A_1 = arith.constant 640 : i32
    %mul3A_2 = arith.muli %arg1, %mul3A_1 : i32
    "tpu.region"() ({
      %run_scoped3A = tpu.sem_alloc : memref<!tpu.dma_semaphore, #tpu.memory_space<semaphore_mem>>
      %dma_start3A = tpu.memref_slice %arg7[%mul3A_2] : memref<10240xf32, #tpu.memory_space<vmem_shared>> -> memref<640xf32, #tpu.memory_space<vmem_shared>>
      %dma_start3A_68 = tpu.memref_slice %arg3[%mul3A_2] : memref<10240xf32, #tpu.memory_space<hbm>> -> memref<640xf32, #tpu.memory_space<hbm>>
      tpu.enqueue_dma source(%dma_start3A_68 : memref<640xf32, #tpu.memory_space<hbm>>) target(%dma_start3A : memref<640xf32, #tpu.memory_space<vmem_shared>>) target_semaphore(%run_scoped3A : memref<!tpu.dma_semaphore, #tpu.memory_space<semaphore_mem>>)
      %dma_wait3A_69 = tpu.memref_slice %arg7[%mul3A_2] : memref<10240xf32, #tpu.memory_space<vmem_shared>> -> memref<640xf32, #tpu.memory_space<vmem_shared>>
      %dma_wait3A_70 = tpu.memref_slice %arg3[%mul3A_2] : memref<10240xf32, #tpu.memory_space<hbm>> -> memref<640xf32, #tpu.memory_space<hbm>>
      tpu.wait_dma2 semaphore(%run_scoped3A : memref<!tpu.dma_semaphore, #tpu.memory_space<semaphore_mem>>) src(%dma_wait3A_70 : memref<640xf32, #tpu.memory_space<hbm>>) dst(%dma_wait3A_69 : memref<640xf32, #tpu.memory_space<vmem_shared>>)
      tpu.yield
    }) : () -> ()
    "tpu.region"() ({
      %run_scoped3A = tpu.sem_alloc : memref<!tpu.dma_semaphore, #tpu.memory_space<semaphore_mem>>
      %dma_start3A = arith.constant 0 : i32
      %dma_start3A_68 = arith.constant 0 : i32
      %dma_start3A_69 = tpu.memref_slice %arg2[%add3A, %dma_start3A, %dma_start3A_68] : memref<32x80x128xi32, #tpu.memory_space<hbm>> -> memref<1x80x128xi32, #tpu.memory_space<hbm>>
      %dma_start3A_70 = tpu.memref_squeeze %dma_start3A_69 : memref<1x80x128xi32, #tpu.memory_space<hbm>> -> memref<80x128xi32, #tpu.memory_space<hbm>>
      %dma_start3A_71 = arith.constant 0 : i32
      %dma_start3A_72 = arith.constant 0 : i32
      %dma_start3A_73 = tpu.memref_slice %arg2[%add3A, %dma_start3A_71, %dma_start3A_72] : memref<32x80x128xi32, #tpu.memory_space<hbm>> -> memref<1x80x128xi32, #tpu.memory_space<hbm>>
      %dma_start3A_74 = tpu.memref_squeeze %dma_start3A_73 : memref<1x80x128xi32, #tpu.memory_space<hbm>> -> memref<80x128xi32, #tpu.memory_space<hbm>>
      tpu.enqueue_dma source(%dma_start3A_74 : memref<80x128xi32, #tpu.memory_space<hbm>>) target(%arg5 : memref<80x128xi32, #tpu.memory_space<vmem>>) target_semaphore(%run_scoped3A : memref<!tpu.dma_semaphore, #tpu.memory_space<semaphore_mem>>)
      %dma_wait3A_75 = arith.constant 0 : i32
      %dma_wait3A_76 = arith.constant 0 : i32
      %dma_wait3A_77 = tpu.memref_slice %arg2[%add3A, %dma_wait3A_75, %dma_wait3A_76] : memref<32x80x128xi32, #tpu.memory_space<hbm>> -> memref<1x80x128xi32, #tpu.memory_space<hbm>>
      %dma_wait3A_78 = tpu.memref_squeeze %dma_wait3A_77 : memref<1x80x128xi32, #tpu.memory_space<hbm>> -> memref<80x128xi32, #tpu.memory_space<hbm>>
      %dma_wait3A_79 = arith.constant 0 : i32
      %dma_wait3A_80 = arith.constant 0 : i32
      %dma_wait3A_81 = tpu.memref_slice %arg2[%add3A, %dma_wait3A_79, %dma_wait3A_80] : memref<32x80x128xi32, #tpu.memory_space<hbm>> -> memref<1x80x128xi32, #tpu.memory_space<hbm>>
      %dma_wait3A_82 = tpu.memref_squeeze %dma_wait3A_81 : memref<1x80x128xi32, #tpu.memory_space<hbm>> -> memref<80x128xi32, #tpu.memory_space<hbm>>
      tpu.wait_dma2 semaphore(%run_scoped3A : memref<!tpu.dma_semaphore, #tpu.memory_space<semaphore_mem>>) src(%dma_wait3A_82 : memref<80x128xi32, #tpu.memory_space<hbm>>) dst(%arg5 : memref<80x128xi32, #tpu.memory_space<vmem>>)
      tpu.yield
    }) : () -> ()
    %broadcast_in_dim3A = arith.constant 1.000000e+00 : f32
    %broadcast_in_dim3A_3 = vector.broadcast %broadcast_in_dim3A : f32 to vector<16xf32>
    %swap3A = arith.constant 0 : index
    %swap3A_4 = tpu.vector_load %arg6[%swap3A] {strides = array<i32>} : memref<128xf32, #tpu.memory_space<vmem>>, vector<16xf32>,
    tpu.vector_store %arg6[%swap3A], %broadcast_in_dim3A_3 {strides = array<i32>} : memref<128xf32, #tpu.memory_space<vmem>>, vector<16xf32>,
    %broadcast_in_dim3A_5 = arith.constant 1.000000e+00 : f32
    %broadcast_in_dim3A_6 = vector.broadcast %broadcast_in_dim3A_5 : f32 to vector<16xf32>
    %swap3A_7 = arith.constant 16 : index
    %swap3A_8 = tpu.vector_load %arg6[%swap3A_7] {strides = array<i32>} : memref<128xf32, #tpu.memory_space<vmem>>, vector<16xf32>,
    tpu.vector_store %arg6[%swap3A_7], %broadcast_in_dim3A_6 {strides = array<i32>} : memref<128xf32, #tpu.memory_space<vmem>>, vector<16xf32>,
    %broadcast_in_dim3A_9 = arith.constant 1.000000e+00 : f32
    %broadcast_in_dim3A_10 = vector.broadcast %broadcast_in_dim3A_9 : f32 to vector<16xf32>
    %swap3A_11 = arith.constant 32 : index
    %swap3A_12 = tpu.vector_load %arg6[%swap3A_11] {strides = array<i32>} : memref<128xf32, #tpu.memory_space<vmem>>, vector<16xf32>,
    tpu.vector_store %arg6[%swap3A_11], %broadcast_in_dim3A_10 {strides = array<i32>} : memref<128xf32, #tpu.memory_space<vmem>>, vector<16xf32>,
    %broadcast_in_dim3A_13 = arith.constant 1.000000e+00 : f32
    %broadcast_in_dim3A_14 = vector.broadcast %broadcast_in_dim3A_13 : f32 to vector<16xf32>
    %swap3A_15 = arith.constant 48 : index
    %swap3A_16 = tpu.vector_load %arg6[%swap3A_15] {strides = array<i32>} : memref<128xf32, #tpu.memory_space<vmem>>, vector<16xf32>,
    tpu.vector_store %arg6[%swap3A_15], %broadcast_in_dim3A_14 {strides = array<i32>} : memref<128xf32, #tpu.memory_space<vmem>>, vector<16xf32>,
    %broadcast_in_dim3A_17 = arith.constant 1.000000e+00 : f32
    %broadcast_in_dim3A_18 = vector.broadcast %broadcast_in_dim3A_17 : f32 to vector<16xf32>
    %swap3A_19 = arith.constant 64 : index
    %swap3A_20 = tpu.vector_load %arg6[%swap3A_19] {strides = array<i32>} : memref<128xf32, #tpu.memory_space<vmem>>, vector<16xf32>,
    tpu.vector_store %arg6[%swap3A_19], %broadcast_in_dim3A_18 {strides = array<i32>} : memref<128xf32, #tpu.memory_space<vmem>>, vector<16xf32>,
    %broadcast_in_dim3A_21 = arith.constant 1.000000e+00 : f32
    %broadcast_in_dim3A_22 = vector.broadcast %broadcast_in_dim3A_21 : f32 to vector<16xf32>
    %swap3A_23 = arith.constant 80 : index
    %swap3A_24 = tpu.vector_load %arg6[%swap3A_23] {strides = array<i32>} : memref<128xf32, #tpu.memory_space<vmem>>, vector<16xf32>,
    tpu.vector_store %arg6[%swap3A_23], %broadcast_in_dim3A_22 {strides = array<i32>} : memref<128xf32, #tpu.memory_space<vmem>>, vector<16xf32>,
    %broadcast_in_dim3A_25 = arith.constant 1.000000e+00 : f32
    %broadcast_in_dim3A_26 = vector.broadcast %broadcast_in_dim3A_25 : f32 to vector<16xf32>
    %swap3A_27 = arith.constant 96 : index
    %swap3A_28 = tpu.vector_load %arg6[%swap3A_27] {strides = array<i32>} : memref<128xf32, #tpu.memory_space<vmem>>, vector<16xf32>,
    tpu.vector_store %arg6[%swap3A_27], %broadcast_in_dim3A_26 {strides = array<i32>} : memref<128xf32, #tpu.memory_space<vmem>>, vector<16xf32>,
    %broadcast_in_dim3A_29 = arith.constant 1.000000e+00 : f32
    %broadcast_in_dim3A_30 = vector.broadcast %broadcast_in_dim3A_29 : f32 to vector<16xf32>
    %swap3A_31 = arith.constant 112 : index
    %swap3A_32 = tpu.vector_load %arg6[%swap3A_31] {strides = array<i32>} : memref<128xf32, #tpu.memory_space<vmem>>, vector<16xf32>,
    tpu.vector_store %arg6[%swap3A_31], %broadcast_in_dim3A_30 {strides = array<i32>} : memref<128xf32, #tpu.memory_space<vmem>>, vector<16xf32>,
    %barrier3A = arith.constant 0 : index
    tpu.barrier barrier_id(%barrier3A)
    %scan3A = arith.constant 0 : i32
    %scan3A_33 = arith.constant 0 : i32
    %scan3A_34 = arith.constant 16 : i32
    %scan3A_35 = arith.addi %scan3A_33, %scan3A_34 : i32
    %scan3A_36 = arith.constant 1 : i32
    scf.for %scan3A_68 = %scan3A_33 to %scan3A_35 step %scan3A_36  : i32 {
      %gt3A = arith.constant 0 : i32
      %gt3A_69 = arith.cmpi sgt, %scan3A_68, %gt3A : i32
      %convert_element_type3A = arith.extui %gt3A_69 : i1 to i32
      %cond3A = arith.constant 0 : i32
      %cond3A_70 = arith.cmpi ne, %convert_element_type3A, %cond3A : i32
      scf.if %cond3A_70 {
        %dma_wait3A_115 = arith.constant 0 : i32
        %dma_wait3A_116 = arith.constant 0 : i32
        %dma_wait3A_117 = tpu.memref_slice %arg5[%dma_wait3A_115, %dma_wait3A_116] : memref<80x128xi32, #tpu.memory_space<vmem>> -> memref<1x128xi32, #tpu.memory_space<vmem>>
        %dma_wait3A_118 = tpu.memref_squeeze %dma_wait3A_117 : memref<1x128xi32, #tpu.memory_space<vmem>> -> memref<128xi32, #tpu.memory_space<vmem>>
        %dma_wait3A_119 = arith.constant 0 : i32
        %dma_wait3A_120 = tpu.memref_slice %arg7[%dma_wait3A_119] : memref<10240xf32, #tpu.memory_space<vmem_shared>> -> memref<10240xf32, #tpu.memory_space<vmem_shared>>
        tpu.wait_indirect_dma semaphore(%arg8 : memref<!tpu.dma_semaphore, #tpu.memory_space<semaphore_mem>>) src(%arg6 : memref<128xf32, #tpu.memory_space<vmem>>) dst(%dma_wait3A_120 : memref<10240xf32, #tpu.memory_space<vmem_shared>>)
        %dma_wait3A_121 = arith.constant 0 : i32
        %dma_wait3A_122 = arith.constant 0 : i32
        %dma_wait3A_123 = tpu.memref_slice %arg5[%dma_wait3A_121, %dma_wait3A_122] : memref<80x128xi32, #tpu.memory_space<vmem>> -> memref<1x128xi32, #tpu.memory_space<vmem>>
        %dma_wait3A_124 = tpu.memref_squeeze %dma_wait3A_123 : memref<1x128xi32, #tpu.memory_space<vmem>> -> memref<128xi32, #tpu.memory_space<vmem>>
        %dma_wait3A_125 = arith.constant 0 : i32
        %dma_wait3A_126 = tpu.memref_slice %arg7[%dma_wait3A_125] : memref<10240xf32, #tpu.memory_space<vmem_shared>> -> memref<10240xf32, #tpu.memory_space<vmem_shared>>
        tpu.wait_indirect_dma semaphore(%arg9 : memref<!tpu.dma_semaphore, #tpu.memory_space<semaphore_mem>>) src(%arg6 : memref<128xf32, #tpu.memory_space<vmem>>) dst(%dma_wait3A_126 : memref<10240xf32, #tpu.memory_space<vmem_shared>>)
        %dma_wait3A_127 = arith.constant 0 : i32
        %dma_wait3A_128 = arith.constant 0 : i32
        %dma_wait3A_129 = tpu.memref_slice %arg5[%dma_wait3A_127, %dma_wait3A_128] : memref<80x128xi32, #tpu.memory_space<vmem>> -> memref<1x128xi32, #tpu.memory_space<vmem>>
        %dma_wait3A_130 = tpu.memref_squeeze %dma_wait3A_129 : memref<1x128xi32, #tpu.memory_space<vmem>> -> memref<128xi32, #tpu.memory_space<vmem>>
        %dma_wait3A_131 = arith.constant 0 : i32
        %dma_wait3A_132 = tpu.memref_slice %arg7[%dma_wait3A_131] : memref<10240xf32, #tpu.memory_space<vmem_shared>> -> memref<10240xf32, #tpu.memory_space<vmem_shared>>
        tpu.wait_indirect_dma semaphore(%arg10 : memref<!tpu.dma_semaphore, #tpu.memory_space<semaphore_mem>>) src(%arg6 : memref<128xf32, #tpu.memory_space<vmem>>) dst(%dma_wait3A_132 : memref<10240xf32, #tpu.memory_space<vmem_shared>>)
        %dma_wait3A_133 = arith.constant 0 : i32
        %dma_wait3A_134 = arith.constant 0 : i32
        %dma_wait3A_135 = tpu.memref_slice %arg5[%dma_wait3A_133, %dma_wait3A_134] : memref<80x128xi32, #tpu.memory_space<vmem>> -> memref<1x128xi32, #tpu.memory_space<vmem>>
        %dma_wait3A_136 = tpu.memref_squeeze %dma_wait3A_135 : memref<1x128xi32, #tpu.memory_space<vmem>> -> memref<128xi32, #tpu.memory_space<vmem>>
        %dma_wait3A_137 = arith.constant 0 : i32
        %dma_wait3A_138 = tpu.memref_slice %arg7[%dma_wait3A_137] : memref<10240xf32, #tpu.memory_space<vmem_shared>> -> memref<10240xf32, #tpu.memory_space<vmem_shared>>
        tpu.wait_indirect_dma semaphore(%arg11 : memref<!tpu.dma_semaphore, #tpu.memory_space<semaphore_mem>>) src(%arg6 : memref<128xf32, #tpu.memory_space<vmem>>) dst(%dma_wait3A_138 : memref<10240xf32, #tpu.memory_space<vmem_shared>>)
        %dma_wait3A_139 = arith.constant 0 : i32
        %dma_wait3A_140 = arith.constant 0 : i32
        %dma_wait3A_141 = tpu.memref_slice %arg5[%dma_wait3A_139, %dma_wait3A_140] : memref<80x128xi32, #tpu.memory_space<vmem>> -> memref<1x128xi32, #tpu.memory_space<vmem>>
        %dma_wait3A_142 = tpu.memref_squeeze %dma_wait3A_141 : memref<1x128xi32, #tpu.memory_space<vmem>> -> memref<128xi32, #tpu.memory_space<vmem>>
        %dma_wait3A_143 = arith.constant 0 : i32
        %dma_wait3A_144 = tpu.memref_slice %arg7[%dma_wait3A_143] : memref<10240xf32, #tpu.memory_space<vmem_shared>> -> memref<10240xf32, #tpu.memory_space<vmem_shared>>
        tpu.wait_indirect_dma semaphore(%arg12 : memref<!tpu.dma_semaphore, #tpu.memory_space<semaphore_mem>>) src(%arg6 : memref<128xf32, #tpu.memory_space<vmem>>) dst(%dma_wait3A_144 : memref<10240xf32, #tpu.memory_space<vmem_shared>>)
      } else {
      }
      %mul3A_71 = arith.constant 5 : i32
      %mul3A_72 = arith.muli %scan3A_68, %mul3A_71 : i32
      %add3A_73 = arith.constant 0 : i32
      %add3A_74 = arith.addi %mul3A_72, %add3A_73 : i32
      %dma_start3A = arith.constant 0 : i32
      %dma_start3A_75 = tpu.memref_slice %arg5[%add3A_74, %dma_start3A] : memref<80x128xi32, #tpu.memory_space<vmem>> -> memref<1x128xi32, #tpu.memory_space<vmem>>
      %dma_start3A_76 = tpu.memref_squeeze %dma_start3A_75 : memref<1x128xi32, #tpu.memory_space<vmem>> -> memref<128xi32, #tpu.memory_space<vmem>>
      %dma_start3A_77 = arith.constant 0 : i32
      %dma_start3A_78 = tpu.memref_slice %arg7[%dma_start3A_77] : memref<10240xf32, #tpu.memory_space<vmem_shared>> -> memref<10240xf32, #tpu.memory_space<vmem_shared>>
      tpu.enqueue_indirect_dma source(%arg6 : memref<128xf32, #tpu.memory_space<vmem>>) target(%dma_start3A_78 : memref<10240xf32, #tpu.memory_space<vmem_shared>>) offsets(%dma_start3A_76 : memref<128xi32, #tpu.memory_space<vmem>>) semaphore(%arg8 : memref<!tpu.dma_semaphore, #tpu.memory_space<semaphore_mem>>) {add = true}
      %mul3A_79 = arith.constant 5 : i32
      %mul3A_80 = arith.muli %scan3A_68, %mul3A_79 : i32
      %add3A_81 = arith.constant 1 : i32
      %add3A_82 = arith.addi %mul3A_80, %add3A_81 : i32
      %dma_start3A_83 = arith.constant 0 : i32
      %dma_start3A_84 = tpu.memref_slice %arg5[%add3A_82, %dma_start3A_83] : memref<80x128xi32, #tpu.memory_space<vmem>> -> memref<1x128xi32, #tpu.memory_space<vmem>>
      %dma_start3A_85 = tpu.memref_squeeze %dma_start3A_84 : memref<1x128xi32, #tpu.memory_space<vmem>> -> memref<128xi32, #tpu.memory_space<vmem>>
      %dma_start3A_86 = arith.constant 0 : i32
      %dma_start3A_87 = tpu.memref_slice %arg7[%dma_start3A_86] : memref<10240xf32, #tpu.memory_space<vmem_shared>> -> memref<10240xf32, #tpu.memory_space<vmem_shared>>
      tpu.enqueue_indirect_dma source(%arg6 : memref<128xf32, #tpu.memory_space<vmem>>) target(%dma_start3A_87 : memref<10240xf32, #tpu.memory_space<vmem_shared>>) offsets(%dma_start3A_85 : memref<128xi32, #tpu.memory_space<vmem>>) semaphore(%arg9 : memref<!tpu.dma_semaphore, #tpu.memory_space<semaphore_mem>>) {add = true}
      %mul3A_88 = arith.constant 5 : i32
      %mul3A_89 = arith.muli %scan3A_68, %mul3A_88 : i32
      %add3A_90 = arith.constant 2 : i32
      %add3A_91 = arith.addi %mul3A_89, %add3A_90 : i32
      %dma_start3A_92 = arith.constant 0 : i32
      %dma_start3A_93 = tpu.memref_slice %arg5[%add3A_91, %dma_start3A_92] : memref<80x128xi32, #tpu.memory_space<vmem>> -> memref<1x128xi32, #tpu.memory_space<vmem>>
      %dma_start3A_94 = tpu.memref_squeeze %dma_start3A_93 : memref<1x128xi32, #tpu.memory_space<vmem>> -> memref<128xi32, #tpu.memory_space<vmem>>
      %dma_start3A_95 = arith.constant 0 : i32
      %dma_start3A_96 = tpu.memref_slice %arg7[%dma_start3A_95] : memref<10240xf32, #tpu.memory_space<vmem_shared>> -> memref<10240xf32, #tpu.memory_space<vmem_shared>>
      tpu.enqueue_indirect_dma source(%arg6 : memref<128xf32, #tpu.memory_space<vmem>>) target(%dma_start3A_96 : memref<10240xf32, #tpu.memory_space<vmem_shared>>) offsets(%dma_start3A_94 : memref<128xi32, #tpu.memory_space<vmem>>) semaphore(%arg10 : memref<!tpu.dma_semaphore, #tpu.memory_space<semaphore_mem>>) {add = true}
      %mul3A_97 = arith.constant 5 : i32
      %mul3A_98 = arith.muli %scan3A_68, %mul3A_97 : i32
      %add3A_99 = arith.constant 3 : i32
      %add3A_100 = arith.addi %mul3A_98, %add3A_99 : i32
      %dma_start3A_101 = arith.constant 0 : i32
      %dma_start3A_102 = tpu.memref_slice %arg5[%add3A_100, %dma_start3A_101] : memref<80x128xi32, #tpu.memory_space<vmem>> -> memref<1x128xi32, #tpu.memory_space<vmem>>
      %dma_start3A_103 = tpu.memref_squeeze %dma_start3A_102 : memref<1x128xi32, #tpu.memory_space<vmem>> -> memref<128xi32, #tpu.memory_space<vmem>>
      %dma_start3A_104 = arith.constant 0 : i32
      %dma_start3A_105 = tpu.memref_slice %arg7[%dma_start3A_104] : memref<10240xf32, #tpu.memory_space<vmem_shared>> -> memref<10240xf32, #tpu.memory_space<vmem_shared>>
      tpu.enqueue_indirect_dma source(%arg6 : memref<128xf32, #tpu.memory_space<vmem>>) target(%dma_start3A_105 : memref<10240xf32, #tpu.memory_space<vmem_shared>>) offsets(%dma_start3A_103 : memref<128xi32, #tpu.memory_space<vmem>>) semaphore(%arg11 : memref<!tpu.dma_semaphore, #tpu.memory_space<semaphore_mem>>) {add = true}
      %mul3A_106 = arith.constant 5 : i32
      %mul3A_107 = arith.muli %scan3A_68, %mul3A_106 : i32
      %add3A_108 = arith.constant 4 : i32
      %add3A_109 = arith.addi %mul3A_107, %add3A_108 : i32
      %dma_start3A_110 = arith.constant 0 : i32
      %dma_start3A_111 = tpu.memref_slice %arg5[%add3A_109, %dma_start3A_110] : memref<80x128xi32, #tpu.memory_space<vmem>> -> memref<1x128xi32, #tpu.memory_space<vmem>>
      %dma_start3A_112 = tpu.memref_squeeze %dma_start3A_111 : memref<1x128xi32, #tpu.memory_space<vmem>> -> memref<128xi32, #tpu.memory_space<vmem>>
      %dma_start3A_113 = arith.constant 0 : i32
      %dma_start3A_114 = tpu.memref_slice %arg7[%dma_start3A_113] : memref<10240xf32, #tpu.memory_space<vmem_shared>> -> memref<10240xf32, #tpu.memory_space<vmem_shared>>
      tpu.enqueue_indirect_dma source(%arg6 : memref<128xf32, #tpu.memory_space<vmem>>) target(%dma_start3A_114 : memref<10240xf32, #tpu.memory_space<vmem_shared>>) offsets(%dma_start3A_112 : memref<128xi32, #tpu.memory_space<vmem>>) semaphore(%arg12 : memref<!tpu.dma_semaphore, #tpu.memory_space<semaphore_mem>>) {add = true}
    }
    %scan3A_37 = arith.constant 16 : i32
    %dma_wait3A = arith.constant 0 : i32
    %dma_wait3A_38 = arith.constant 0 : i32
    %dma_wait3A_39 = tpu.memref_slice %arg5[%dma_wait3A, %dma_wait3A_38] : memref<80x128xi32, #tpu.memory_space<vmem>> -> memref<1x128xi32, #tpu.memory_space<vmem>>
    %dma_wait3A_40 = tpu.memref_squeeze %dma_wait3A_39 : memref<1x128xi32, #tpu.memory_space<vmem>> -> memref<128xi32, #tpu.memory_space<vmem>>
    %dma_wait3A_41 = arith.constant 0 : i32
    %dma_wait3A_42 = tpu.memref_slice %arg7[%dma_wait3A_41] : memref<10240xf32, #tpu.memory_space<vmem_shared>> -> memref<10240xf32, #tpu.memory_space<vmem_shared>>
    tpu.wait_indirect_dma semaphore(%arg8 : memref<!tpu.dma_semaphore, #tpu.memory_space<semaphore_mem>>) src(%arg6 : memref<128xf32, #tpu.memory_space<vmem>>) dst(%dma_wait3A_42 : memref<10240xf32, #tpu.memory_space<vmem_shared>>)
    %dma_wait3A_43 = arith.constant 0 : i32
    %dma_wait3A_44 = arith.constant 0 : i32
    %dma_wait3A_45 = tpu.memref_slice %arg5[%dma_wait3A_43, %dma_wait3A_44] : memref<80x128xi32, #tpu.memory_space<vmem>> -> memref<1x128xi32, #tpu.memory_space<vmem>>
    %dma_wait3A_46 = tpu.memref_squeeze %dma_wait3A_45 : memref<1x128xi32, #tpu.memory_space<vmem>> -> memref<128xi32, #tpu.memory_space<vmem>>
    %dma_wait3A_47 = arith.constant 0 : i32
    %dma_wait3A_48 = tpu.memref_slice %arg7[%dma_wait3A_47] : memref<10240xf32, #tpu.memory_space<vmem_shared>> -> memref<10240xf32, #tpu.memory_space<vmem_shared>>
    tpu.wait_indirect_dma semaphore(%arg9 : memref<!tpu.dma_semaphore, #tpu.memory_space<semaphore_mem>>) src(%arg6 : memref<128xf32, #tpu.memory_space<vmem>>) dst(%dma_wait3A_48 : memref<10240xf32, #tpu.memory_space<vmem_shared>>)
    %dma_wait3A_49 = arith.constant 0 : i32
    %dma_wait3A_50 = arith.constant 0 : i32
    %dma_wait3A_51 = tpu.memref_slice %arg5[%dma_wait3A_49, %dma_wait3A_50] : memref<80x128xi32, #tpu.memory_space<vmem>> -> memref<1x128xi32, #tpu.memory_space<vmem>>
    %dma_wait3A_52 = tpu.memref_squeeze %dma_wait3A_51 : memref<1x128xi32, #tpu.memory_space<vmem>> -> memref<128xi32, #tpu.memory_space<vmem>>
    %dma_wait3A_53 = arith.constant 0 : i32
    %dma_wait3A_54 = tpu.memref_slice %arg7[%dma_wait3A_53] : memref<10240xf32, #tpu.memory_space<vmem_shared>> -> memref<10240xf32, #tpu.memory_space<vmem_shared>>
    tpu.wait_indirect_dma semaphore(%arg10 : memref<!tpu.dma_semaphore, #tpu.memory_space<semaphore_mem>>) src(%arg6 : memref<128xf32, #tpu.memory_space<vmem>>) dst(%dma_wait3A_54 : memref<10240xf32, #tpu.memory_space<vmem_shared>>)
    %dma_wait3A_55 = arith.constant 0 : i32
    %dma_wait3A_56 = arith.constant 0 : i32
    %dma_wait3A_57 = tpu.memref_slice %arg5[%dma_wait3A_55, %dma_wait3A_56] : memref<80x128xi32, #tpu.memory_space<vmem>> -> memref<1x128xi32, #tpu.memory_space<vmem>>
    %dma_wait3A_58 = tpu.memref_squeeze %dma_wait3A_57 : memref<1x128xi32, #tpu.memory_space<vmem>> -> memref<128xi32, #tpu.memory_space<vmem>>
    %dma_wait3A_59 = arith.constant 0 : i32
    %dma_wait3A_60 = tpu.memref_slice %arg7[%dma_wait3A_59] : memref<10240xf32, #tpu.memory_space<vmem_shared>> -> memref<10240xf32, #tpu.memory_space<vmem_shared>>
    tpu.wait_indirect_dma semaphore(%arg11 : memref<!tpu.dma_semaphore, #tpu.memory_space<semaphore_mem>>) src(%arg6 : memref<128xf32, #tpu.memory_space<vmem>>) dst(%dma_wait3A_60 : memref<10240xf32, #tpu.memory_space<vmem_shared>>)
    %dma_wait3A_61 = arith.constant 0 : i32
    %dma_wait3A_62 = arith.constant 0 : i32
    %dma_wait3A_63 = tpu.memref_slice %arg5[%dma_wait3A_61, %dma_wait3A_62] : memref<80x128xi32, #tpu.memory_space<vmem>> -> memref<1x128xi32, #tpu.memory_space<vmem>>
    %dma_wait3A_64 = tpu.memref_squeeze %dma_wait3A_63 : memref<1x128xi32, #tpu.memory_space<vmem>> -> memref<128xi32, #tpu.memory_space<vmem>>
    %dma_wait3A_65 = arith.constant 0 : i32
    %dma_wait3A_66 = tpu.memref_slice %arg7[%dma_wait3A_65] : memref<10240xf32, #tpu.memory_space<vmem_shared>> -> memref<10240xf32, #tpu.memory_space<vmem_shared>>
    tpu.wait_indirect_dma semaphore(%arg12 : memref<!tpu.dma_semaphore, #tpu.memory_space<semaphore_mem>>) src(%arg6 : memref<128xf32, #tpu.memory_space<vmem>>) dst(%dma_wait3A_66 : memref<10240xf32, #tpu.memory_space<vmem_shared>>)
    %barrier3A_67 = arith.constant 0 : index
    tpu.barrier barrier_id(%barrier3A_67)
    "tpu.region"() ({
      %run_scoped3A = tpu.sem_alloc : memref<!tpu.dma_semaphore, #tpu.memory_space<semaphore_mem>>
      %dma_start3A = tpu.memref_slice %arg4[%arg0, %mul3A_2] : memref<2x10240xf32, #tpu.memory_space<hbm>> -> memref<1x640xf32, #tpu.memory_space<hbm>>
      %dma_start3A_68 = tpu.memref_squeeze %dma_start3A : memref<1x640xf32, #tpu.memory_space<hbm>> -> memref<640xf32, #tpu.memory_space<hbm>>
      %dma_start3A_69 = tpu.memref_slice %arg7[%mul3A_2] : memref<10240xf32, #tpu.memory_space<vmem_shared>> -> memref<640xf32, #tpu.memory_space<vmem_shared>>
      tpu.enqueue_dma source(%dma_start3A_69 : memref<640xf32, #tpu.memory_space<vmem_shared>>) target(%dma_start3A_68 : memref<640xf32, #tpu.memory_space<hbm>>) target_semaphore(%run_scoped3A : memref<!tpu.dma_semaphore, #tpu.memory_space<semaphore_mem>>)
      %dma_wait3A_70 = tpu.memref_slice %arg4[%arg0, %mul3A_2] : memref<2x10240xf32, #tpu.memory_space<hbm>> -> memref<1x640xf32, #tpu.memory_space<hbm>>
      %dma_wait3A_71 = tpu.memref_squeeze %dma_wait3A_70 : memref<1x640xf32, #tpu.memory_space<hbm>> -> memref<640xf32, #tpu.memory_space<hbm>>
      %dma_wait3A_72 = tpu.memref_slice %arg7[%mul3A_2] : memref<10240xf32, #tpu.memory_space<vmem_shared>> -> memref<640xf32, #tpu.memory_space<vmem_shared>>
      tpu.wait_dma2 semaphore(%run_scoped3A : memref<!tpu.dma_semaphore, #tpu.memory_space<semaphore_mem>>) src(%dma_wait3A_72 : memref<640xf32, #tpu.memory_space<vmem_shared>>) dst(%dma_wait3A_71 : memref<640xf32, #tpu.memory_space<hbm>>)
      tpu.yield
    }) : () -> ()
    return
  }
}

module attributes {stable_mosaic.version = 14 : i64} {
  func.func @_prep_body(%arg0: memref<10240x128xf32, #tpu.memory_space<vmem>>, %arg1: memref<128x64xf32, #tpu.memory_space<vmem>>, %arg2: memref<2x10240x1xf32, #tpu.memory_space<vmem>>, %arg3: memref<10240x64xf32, #tpu.memory_space<vmem>>, %arg4: memref<10240x1xf32, #tpu.memory_space<vmem>>) attributes {dimension_semantics = [], scalar_prefetch = 0 : i64, scratch_operands = 0 : i64, tpu.core_type = #tpu.core_type<tc>} {
    %get3A = arith.constant 0 : index
    %get3A_0 = arith.constant 0 : index
    %get3A_1 = vector.load %arg0[%get3A, %get3A_0] : memref<10240x128xf32, #tpu.memory_space<vmem>>, vector<10240x128xf32>
    %get3A_2 = arith.constant 0 : index
    %get3A_3 = arith.constant 0 : index
    %get3A_4 = vector.load %arg1[%get3A_2, %get3A_3] : memref<128x64xf32, #tpu.memory_space<vmem>>, vector<128x64xf32>
    %dot_general3A = arith.constant dense<0.000000e+00> : vector<10240x64xf32>
    %dot_general3A_5 = tpu.matmul %get3A_1, %get3A_4, %dot_general3A {dimension_numbers = #tpu.dot_dimension_numbers<[1], [0], [0], [1], [0, 0, 1, 1], [], []>, transpose_lhs_hint = false} : vector<10240x128xf32>, vector<128x64xf32>, vector<10240x64xf32> -> vector<10240x64xf32>
    %get3A_6 = arith.constant 0 : index
    %get3A_7 = arith.constant 0 : index
    %get3A_8 = arith.constant 0 : index
    %get3A_9 = vector.load %arg2[%get3A_6, %get3A_7, %get3A_8] : memref<2x10240x1xf32, #tpu.memory_space<vmem>>, vector<1x10240x1xf32>
    %get3A_10 = vector.shape_cast %get3A_9 : vector<1x10240x1xf32> to vector<10240x1xf32>
    %get3A_11 = arith.constant 1 : index
    %get3A_12 = arith.constant 0 : index
    %get3A_13 = arith.constant 0 : index
    %get3A_14 = vector.load %arg2[%get3A_11, %get3A_12, %get3A_13] : memref<2x10240x1xf32, #tpu.memory_space<vmem>>, vector<1x10240x1xf32>
    %get3A_15 = vector.shape_cast %get3A_14 : vector<1x10240x1xf32> to vector<10240x1xf32>
    %add3A = arith.addf %get3A_10, %get3A_15 : vector<10240x1xf32>
    %add3A_16 = arith.constant 1.000000e+00 : f32
    %add3A_17 = vector.broadcast %add3A_16 : f32 to vector<10240x1xf32>
    %add3A_18 = arith.addf %add3A, %add3A_17 : vector<10240x1xf32>
    %rsqrt3A = math.rsqrt %add3A_18 : vector<10240x1xf32>
    %mul3A = vector.broadcast %rsqrt3A : vector<10240x1xf32> to vector<10240x64xf32>
    %mul3A_19 = arith.mulf %dot_general3A_5, %mul3A : vector<10240x64xf32>
    %swap3A = arith.constant 0 : index
    %swap3A_20 = arith.constant 0 : index
    %swap3A_21 = vector.load %arg3[%swap3A, %swap3A_20] : memref<10240x64xf32, #tpu.memory_space<vmem>>, vector<10240x64xf32>
    tpu.vector_store %arg3[%swap3A, %swap3A_20], %mul3A_19 {strides = array<i32>} : memref<10240x64xf32, #tpu.memory_space<vmem>>, vector<10240x64xf32>,
    %swap3A_22 = arith.constant 0 : index
    %swap3A_23 = arith.constant 0 : index
    %swap3A_24 = vector.load %arg4[%swap3A_22, %swap3A_23] : memref<10240x1xf32, #tpu.memory_space<vmem>>, vector<10240x1xf32>
    tpu.vector_store %arg4[%swap3A_22, %swap3A_23], %rsqrt3A {strides = array<i32>} : memref<10240x1xf32, #tpu.memory_space<vmem>>, vector<10240x1xf32>,
    return
  }
}

module attributes {stable_mosaic.version = 14 : i64} {
  func.func @_fin_body(%arg0: memref<2x10240x64xf32, #tpu.memory_space<vmem>>, %arg1: memref<2x10240x1xf32, #tpu.memory_space<vmem>>, %arg2: memref<10240x64xf32, #tpu.memory_space<vmem>>, %arg3: memref<10240x1xf32, #tpu.memory_space<vmem>>, %arg4: memref<64xf32, #tpu.memory_space<vmem>>, %arg5: memref<64xf32, #tpu.memory_space<vmem>>, %arg6: memref<64xf32, #tpu.memory_space<vmem>>, %arg7: memref<64x128xf32, #tpu.memory_space<vmem>>, %arg8: memref<128xf32, #tpu.memory_space<vmem>>, %arg9: memref<128xf32, #tpu.memory_space<vmem>>, %arg10: memref<128xf32, #tpu.memory_space<vmem>>, %arg11: memref<1x128xf32, #tpu.memory_space<vmem>>) attributes {dimension_semantics = [], scalar_prefetch = 0 : i64, scratch_operands = 0 : i64, tpu.core_type = #tpu.core_type<tc>} {
    %get3A = arith.constant 0 : index
    %get3A_0 = arith.constant 0 : index
    %get3A_1 = vector.load %arg3[%get3A, %get3A_0] : memref<10240x1xf32, #tpu.memory_space<vmem>>, vector<10240x1xf32>
    %get3A_2 = arith.constant 0 : index
    %get3A_3 = arith.constant 0 : index
    %get3A_4 = arith.constant 0 : index
    %get3A_5 = vector.load %arg0[%get3A_2, %get3A_3, %get3A_4] : memref<2x10240x64xf32, #tpu.memory_space<vmem>>, vector<1x10240x64xf32>
    %get3A_6 = vector.shape_cast %get3A_5 : vector<1x10240x64xf32> to vector<10240x64xf32>
    %get3A_7 = arith.constant 1 : index
    %get3A_8 = arith.constant 0 : index
    %get3A_9 = arith.constant 0 : index
    %get3A_10 = vector.load %arg0[%get3A_7, %get3A_8, %get3A_9] : memref<2x10240x64xf32, #tpu.memory_space<vmem>>, vector<1x10240x64xf32>
    %get3A_11 = vector.shape_cast %get3A_10 : vector<1x10240x64xf32> to vector<10240x64xf32>
    %add3A = arith.addf %get3A_6, %get3A_11 : vector<10240x64xf32>
    %get3A_12 = arith.constant 0 : index
    %get3A_13 = arith.constant 0 : index
    %get3A_14 = vector.load %arg2[%get3A_12, %get3A_13] : memref<10240x64xf32, #tpu.memory_space<vmem>>, vector<10240x64xf32>
    %add3A_15 = arith.addf %add3A, %get3A_14 : vector<10240x64xf32>
    %mul3A = vector.broadcast %get3A_1 : vector<10240x1xf32> to vector<10240x64xf32>
    %mul3A_16 = arith.mulf %add3A_15, %mul3A : vector<10240x64xf32>
    %get3A_17 = arith.constant 0 : index
    %get3A_18 = vector.load %arg4[%get3A_17] : memref<64xf32, #tpu.memory_space<vmem>>, vector<64xf32>
    %broadcast_in_dim3A = vector.shape_cast %get3A_18 : vector<64xf32> to vector<1x64xf32>
    %add3A_19 = vector.broadcast %broadcast_in_dim3A : vector<1x64xf32> to vector<10240x64xf32>
    %add3A_20 = arith.addf %mul3A_16, %add3A_19 : vector<10240x64xf32>
    %get3A_21 = arith.constant 0 : index
    %get3A_22 = vector.load %arg5[%get3A_21] : memref<64xf32, #tpu.memory_space<vmem>>, vector<64xf32>
    %rsqrt3A = arith.constant 1.000010e+00 : f32
    %rsqrt3A_23 = math.rsqrt %rsqrt3A : f32
    %mul3A_24 = vector.broadcast %rsqrt3A_23 : f32 to vector<64xf32>
    %mul3A_25 = arith.mulf %get3A_22, %mul3A_24 : vector<64xf32>
    %broadcast_in_dim3A_26 = vector.shape_cast %mul3A_25 : vector<64xf32> to vector<1x64xf32>
    %mul3A_27 = vector.broadcast %broadcast_in_dim3A_26 : vector<1x64xf32> to vector<10240x64xf32>
    %mul3A_28 = arith.mulf %add3A_20, %mul3A_27 : vector<10240x64xf32>
    %get3A_29 = arith.constant 0 : index
    %get3A_30 = vector.load %arg6[%get3A_29] : memref<64xf32, #tpu.memory_space<vmem>>, vector<64xf32>
    %broadcast_in_dim3A_31 = vector.shape_cast %get3A_30 : vector<64xf32> to vector<1x64xf32>
    %add3A_32 = vector.broadcast %broadcast_in_dim3A_31 : vector<1x64xf32> to vector<10240x64xf32>
    %add3A_33 = arith.addf %mul3A_28, %add3A_32 : vector<10240x64xf32>
    %max3A = arith.constant 0.000000e+00 : f32
    %max3A_34 = vector.broadcast %max3A : f32 to vector<10240x64xf32>
    %max3A_35 = arith.maximumf %add3A_33, %max3A_34 : vector<10240x64xf32>
    %get3A_36 = arith.constant 0 : index
    %get3A_37 = arith.constant 0 : index
    %get3A_38 = arith.constant 0 : index
    %get3A_39 = vector.load %arg1[%get3A_36, %get3A_37, %get3A_38] : memref<2x10240x1xf32, #tpu.memory_space<vmem>>, vector<1x10240x1xf32>
    %get3A_40 = vector.shape_cast %get3A_39 : vector<1x10240x1xf32> to vector<10240x1xf32>
    %get3A_41 = arith.constant 1 : index
    %get3A_42 = arith.constant 0 : index
    %get3A_43 = arith.constant 0 : index
    %get3A_44 = vector.load %arg1[%get3A_41, %get3A_42, %get3A_43] : memref<2x10240x1xf32, #tpu.memory_space<vmem>>, vector<1x10240x1xf32>
    %get3A_45 = vector.shape_cast %get3A_44 : vector<1x10240x1xf32> to vector<10240x1xf32>
    %add3A_46 = arith.addf %get3A_40, %get3A_45 : vector<10240x1xf32>
    %add3A_47 = arith.addf %add3A_46, %get3A_1 : vector<10240x1xf32>
    %mul3A_48 = arith.mulf %get3A_1, %add3A_47 : vector<10240x1xf32>
    %iota3A = tpu.iota {dimensions = array<i32: 0>} : vector<10240x1xi32>
    %lt3A = arith.constant 10000 : i32
    %lt3A_49 = vector.broadcast %lt3A : i32 to vector<10240x1xi32>
    %lt3A_50 = arith.cmpi slt, %iota3A, %lt3A_49 : vector<10240x1xi32>
    %jit3A = arith.constant 0.000000e+00 : f32
    %broadcast_in_dim3A_51 = vector.broadcast %jit3A : f32 to vector<10240x1xf32>
    %select_n3A = arith.select %lt3A_50, %mul3A_48, %broadcast_in_dim3A_51 : vector<10240x1xi1>, vector<10240x1xf32>
    %mul3A_52 = vector.broadcast %select_n3A : vector<10240x1xf32> to vector<10240x64xf32>
    %mul3A_53 = arith.mulf %max3A_35, %mul3A_52 : vector<10240x64xf32>
    %reduce_sum3A = arith.constant dense<0.000000e+00> : vector<64xf32>
    %reduce_sum3A_54 = vector.multi_reduction <add>, %mul3A_53, %reduce_sum3A [0] : vector<10240x64xf32> to vector<64xf32>
    %broadcast_in_dim3A_55 = vector.shape_cast %reduce_sum3A_54 : vector<64xf32> to vector<1x64xf32>
    %mul3A_56 = arith.constant 9.99999974E-5 : f32
    %mul3A_57 = vector.broadcast %mul3A_56 : f32 to vector<1x64xf32>
    %mul3A_58 = arith.mulf %broadcast_in_dim3A_55, %mul3A_57 : vector<1x64xf32>
    %get3A_59 = arith.constant 0 : index
    %get3A_60 = arith.constant 0 : index
    %get3A_61 = vector.load %arg7[%get3A_59, %get3A_60] : memref<64x128xf32, #tpu.memory_space<vmem>>, vector<64x128xf32>
    %dot_general3A = arith.constant dense<0.000000e+00> : vector<1x128xf32>
    %dot_general3A_62 = tpu.matmul %mul3A_58, %get3A_61, %dot_general3A {dimension_numbers = #tpu.dot_dimension_numbers<[1], [0], [0], [1], [0, 0, 1, 1], [], []>, transpose_lhs_hint = false} : vector<1x64xf32>, vector<64x128xf32>, vector<1x128xf32> -> vector<1x128xf32>
    %get3A_63 = arith.constant 0 : index
    %get3A_64 = vector.load %arg8[%get3A_63] : memref<128xf32, #tpu.memory_space<vmem>>, vector<128xf32>
    %broadcast_in_dim3A_65 = vector.shape_cast %get3A_64 : vector<128xf32> to vector<1x128xf32>
    %add3A_66 = arith.addf %dot_general3A_62, %broadcast_in_dim3A_65 : vector<1x128xf32>
    %get3A_67 = arith.constant 0 : index
    %get3A_68 = vector.load %arg9[%get3A_67] : memref<128xf32, #tpu.memory_space<vmem>>, vector<128xf32>
    %rsqrt3A_69 = arith.constant 1.000010e+00 : f32
    %rsqrt3A_70 = math.rsqrt %rsqrt3A_69 : f32
    %mul3A_71 = vector.broadcast %rsqrt3A_70 : f32 to vector<128xf32>
    %mul3A_72 = arith.mulf %get3A_68, %mul3A_71 : vector<128xf32>
    %broadcast_in_dim3A_73 = vector.shape_cast %mul3A_72 : vector<128xf32> to vector<1x128xf32>
    %mul3A_74 = arith.mulf %add3A_66, %broadcast_in_dim3A_73 : vector<1x128xf32>
    %get3A_75 = arith.constant 0 : index
    %get3A_76 = vector.load %arg10[%get3A_75] : memref<128xf32, #tpu.memory_space<vmem>>, vector<128xf32>
    %broadcast_in_dim3A_77 = vector.shape_cast %get3A_76 : vector<128xf32> to vector<1x128xf32>
    %add3A_78 = arith.addf %mul3A_74, %broadcast_in_dim3A_77 : vector<1x128xf32>
    %swap3A = arith.constant 0 : index
    %swap3A_79 = arith.constant 0 : index
    %swap3A_80 = vector.load %arg11[%swap3A, %swap3A_79] : memref<1x128xf32, #tpu.memory_space<vmem>>, vector<1x128xf32>
    tpu.vector_store %arg11[%swap3A, %swap3A_79], %add3A_78 {strides = array<i32>} : memref<1x128xf32, #tpu.memory_space<vmem>>, vector<1x128xf32>,
    return
  }
}

</mosaic_0001>

<sc_bundles>
// kernel: kernel.6.cloned.1.call-start
scs
__scs_entry_jumppad:
0x0: {  	(pc) =	sbr.rel $0x88, $3  }
0x1: {  	(tag) =	ssettag $0x0;
	lr =	simm.s32 $0x1  }
0x2: {  	[smem:$0x3F97] =	sst lr;
	_ =	strace $0xD0000000  }
0x3: {  	_ = 	snop  }
0x4: {  	_ = 	snop  }
0x5: {  	_ = 	snop  }
0x6: {  	_ = 	snop  }
0x7: {  	_ = 	snop  }
__scs_overlays_trampoline_lowered:
0x8: {  	[smem:$0x3FA6] =	sst s0  }
0x9: {  	[smem:$0x3FA7] =	sst s1  }
0xa: {  	[smem:$0x3FA8] =	sst s2  }
0xb: {  	[smem:$0x3FA9] =	sst s3  }
0xc: {  	[smem:$0x3FAA] =	sst s4  }
0xd: {  	[smem:$0x3FAB] =	sst s5  }
0xe: {  	[smem:$0x3FAC] =	sst s6  }
0xf: {  	[smem:$0x3FAD] =	sst s7  }
0x10: {  	[smem:$0x3FAE] =	sst s8  }
0x11: {  	[smem:$0x3FAF] =	sst s9;
	s0 =	simm.s32 @!p0 $0x0  }
0x12: {  	s1 =	sld [smem:$0x3F95];
	s0 =	simm.s32 @p0 $0x1  }
0x13: {  	[smem:$0x3FB0] =	sst s0;
	s0 =	simm.s32 @!p1 $0x0  }
0x14: {  	s2 =	sld [smem:$0x3F94];
	s0 =	simm.s32 @p1 $0x1  }
0x15: {  	[smem:$0x3FB1] =	sst s0;
	s0 =	simm.s32 @!p2 $0x0  }
0x16: {  	s3 =	sld [smem:$0x3FDB];
	s0 =	simm.s32 @p2 $0x1  }
0x17: {  	s4 =	simm.s32 $0x1BF5;
	[smem:$0x3FB3] =	sst s0  }
0x18: {  	s0 =	sld [smem:$0x3F96];
	_ =	swait.ge [sflag:s4], $0x0  }
0x19: {  	s7 =	sld [smem:$0x3F97]  }
0x1a: {  	s8 =	sadd.s32 $0xFFFFE003, lr  }
0x1b: {  	s9 =	sadd.s32 $0xFFFFFEF7, lr;
	s5 =	simm.s32 $0xFFFFFFFF;
	p2 =	slt.u32 s8, $0xFFFFF086  }
0x1c: {  	p1 =	slt.u32 s9, $0xF7A;
	s5 =	simm.s32 @!p2 $0x0  }
0x1d: {  	s5 =	simm.s32 @p1 $0x1;
	p0 =	seq.s32 s7, s2  }
0x1e: {  	s7 =	smul.u32 @!p0 $0xF7A, s2;
	p2 =	seq.s32 @!p0 s5, $0x0  }
0x1f: {  	s9 =	smul.u32 $0xF7A, s1;
	s8 =	simm.s32 @!p0 $0x1BF5;
	p2 =	por !p2, p0  }
0x20: {  	[sflag:s8] =	ssyncset.s32 @!p0 $0xFFFFF086;
	s6 =	sadd.s32 @!p0 s3, s7;
	s7 =	simm.s32 @!p0 $0x108  }
0x21: {  	s3 =	sadd.s32 s3, s9;
	s6 =	sadd.s32 @!p0 $0x88, s6;
	s7 =	simm.s32 @p2 $0x1082  }
0x22: {  	[simem:s7], [sflag:s8] =	dma.local @!p0 [hbm:s6], $0xF7A  }
0x23: {  	s9 =	sor.u32 $0xD0000000, s2;
	s6 =	simm.s32 $0x108;
	_ =	swait.ge @!p0 [sflag:s8], $0x0  }
0x24: {  	s3 =	sadd.s32 $0x88, s3;
	s6 =	simm.s32 @!p1 $0x1082;
	[sflag:s4] =	ssyncset.s32 $0xFFFFF086  }
0x25: {  	[simem:s6], [sflag:s4] =	dma.local [hbm:s3], $0xF7A  }
0x26: {  	[smem:$0x3F97] =	sst s1;
	(tag) =	ssettag s2;
	_ =	strace s9  }
0x27: {  	s1 =	sld [smem:$0x3FA7]  }
0x28: {  	s2 =	sld [smem:$0x3FA8]  }
0x29: {  	s4 =	sld [smem:$0x3FAA]  }
0x2a: {  	p0 =	seq.s32 s5, $0x0;
	s5 =	sld [smem:$0x3FAB]  }
0x2b: {  	s6 =	sld [smem:$0x3FAC]  }
0x2c: {  	s7 =	sld [smem:$0x3FAD]  }
0x2d: {  	s3 =	simm.s32 $0x108;
	s8 =	sld [smem:$0x3FAE]  }
0x2e: {  	s3 =	simm.s32 @!p0 $0x1082;
	s9 =	sld [smem:$0x3FAF]  }
0x2f: {  	lr =	sadd.s32 s0, s3;
	s0 =	sld [smem:$0x3FA6]  }
0x30: {  	s3 =	sld [smem:$0x3FA9]  }
0x31: {  	[smem:$0x3FB2] =	sst s10  }
0x32: {  	s10 =	sld [smem:$0x3FB0];
	_ =	sdelay $0x3  }
0x33: {  	p0 =	seq.s32 s10, $0x1;
	s10 =	sld [smem:$0x3FB2];
	_ =	sdelay $0x3  }
0x34: {  	[smem:$0x3FB2] =	sst s10  }
0x35: {  	s10 =	sld [smem:$0x3FB1];
	_ =	sdelay $0x3  }
0x36: {  	p1 =	seq.s32 s10, $0x1;
	s10 =	sld [smem:$0x3FB2];
	_ =	sdelay $0x3  }
0x37: {  	[smem:$0x3FB2] =	sst s10  }
0x38: {  	s10 =	sld [smem:$0x3FB3]  }
0x39: {  	_ = 	snop;
	(pc) =	sbr.ind lr, $3  }
0x3a: {  	_ = 	snop  }
0x3b: {  	_ = 	snop  }
0x3c: {  	p2 =	seq.s32 s10, $0x1;
	s10 =	sld [smem:$0x3FB2]  }
0x3d: {  	_ =	shalt  }
0x3e: {  	_ =	shalt  }
0x3f: {  	_ =	shalt  }
0x40: {  	_ =	shalt  }
0x41: {  	_ =	shalt  }
0x42: {  	_ =	shalt  }
0x43: {  	_ =	shalt  }
0x44: {  	_ =	shalt  }
0x45: {  	_ =	shalt  }
0x46: {  	_ =	shalt  }
0x47: {  	_ =	shalt  }
0x48: {  	_ =	shalt  }
0x49: {  	_ =	shalt  }
0x4a: {  	_ =	shalt  }
0x4b: {  	_ =	shalt  }
0x4c: {  	_ =	shalt  }
0x4d: {  	_ =	shalt  }
0x4e: {  	_ =	shalt  }
0x4f: {  	_ =	shalt  }
0x50: {  	_ =	shalt  }
0x51: {  	_ =	shalt  }
0x52: {  	_ =	shalt  }
0x53: {  	_ =	shalt  }
0x54: {  	_ =	shalt  }
0x55: {  	_ =	shalt  }
0x56: {  	_ =	shalt  }
0x57: {  	_ =	shalt  }
0x58: {  	_ =	shalt  }
0x59: {  	_ =	shalt  }
0x5a: {  	_ =	shalt  }
0x5b: {  	_ =	shalt  }
0x5c: {  	_ =	shalt  }
0x5d: {  	_ =	shalt  }
0x5e: {  	_ =	shalt  }
0x5f: {  	_ =	shalt  }
0x60: {  	_ =	shalt  }
0x61: {  	_ =	shalt  }
0x62: {  	_ =	shalt  }
0x63: {  	_ =	shalt  }
0x64: {  	_ =	shalt  }
0x65: {  	_ =	shalt  }
0x66: {  	_ =	shalt  }
0x67: {  	_ =	shalt  }
0x68: {  	_ =	shalt  }
0x69: {  	_ =	shalt  }
0x6a: {  	_ =	shalt  }
0x6b: {  	_ =	shalt  }
0x6c: {  	_ =	shalt  }
0x6d: {  	_ =	shalt  }
0x6e: {  	_ =	shalt  }
0x6f: {  	_ =	shalt  }
0x70: {  	_ =	shalt  }
0x71: {  	_ =	shalt  }
0x72: {  	_ =	shalt  }
0x73: {  	_ =	shalt  }
0x74: {  	_ =	shalt  }
0x75: {  	_ =	shalt  }
0x76: {  	_ =	shalt  }
0x77: {  	_ =	shalt  }
0x78: {  	_ =	shalt  }
0x79: {  	_ =	shalt  }
0x7a: {  	_ =	shalt  }
0x7b: {  	_ =	shalt  }
0x7c: {  	_ =	shalt  }
0x7d: {  	_ =	shalt  }
0x7e: {  	_ =	shalt  }
0x7f: {  	_ =	shalt  }
0x80: {  	_ =	shalt  }
0x81: {  	_ =	shalt  }
0x82: {  	_ =	shalt  }
0x83: {  	_ =	shalt  }
0x84: {  	_ =	shalt  }
0x85: {  	_ =	shalt  }
0x86: {  	_ =	shalt  }
0x87: {  	_ =	shalt  }
.Lfunc_end0:
.L_simem_size_0:
called_computation_lowered:
.L_overlay_start_0:
0x88: {  	s2 =	sld [smem:$0x3FD9]  }
0x89: {  	s3 =	sld [smem:$0x3FFE];
	_ =	sdelay $0x1  }
0x8a: {  	s1 =	srdreg.scid  }
0x8b: {  	s0 =	sand.u32 $0x1, s1  }
0x8c: {  	s16 =	sshll.u32 s0, $0xA;
	s2 =	sadd.s32 s3, s2  }
0x8d: {  	s2 =	sadd.s32 s2, s16  }
0x8e: {  	[smem:$0x3FBE] =	sst s2  }
0x8f: {  	_ = 	snop  }
0x90: {  	(tm) =	ssettm $0x1  }
0x91: {  	s17 =	sld [smem:$0x3FFB];
	_ =	sdelay $0x3  }
0x92: {  	_ =	strace s17  }
0x93: {  	s2 =	sld [smem:$0x3FFC];
	_ =	sdelay $0x3  }
0x94: {  	_ =	strace s2  }
0x95: {  	s2 =	sld [smem:$0x3FFD];
	_ =	sdelay $0x3  }
0x96: {  	_ =	strace s2  }
0x97: {  	_ =	strace $0x8FFFFFFF  }
0x98: {  	s18 =	sld [smem:$0x3FDB];
	_ =	sdelay $0x1  }
0x99: {  	s19 =	simm.s32 $_scs_section_size  }
0x9a: {  	s4 =	simm.s32 $_size__tile_overlayer_lowered;
	s5 =	simm.s32 $_tile_overlayer_lowered  }
0x9b: {  	s22 =	simm.s32 $0x1BFF;
	s21 =	sshll.u32 s5, $0x1;
	s2 =	sadd.s32 s19, s18  }
0x9c: {  	s6 =	simm.s32 $0x0;
	s20 =	sshll.u32 s4, $0x1;
	s4 =	sadd.s32 s21, s2  }
0x9d: {  	[timem:s6], [sflag:s22] =	dma.local [hbm:s4], s20  }
0x9e: {  	_ =	swait.ge [sflag:s22], s20  }
0x9f: {  	s3 =	ssub.s32 $0x0, s20;
	[sflag:s22] =	ssyncset.done $0x0  }
0xa0: {  	[sflag:s22] =	ssyncadd.s32 s3;
	_ =	sdelay $0x1  }
0xa1: {  	s23 =	simm.s32 $0x1B8B  }
0xa2: {  	_ =	swait.ge [sflag:s23], $0x1  }
0xa3: {  	[sflag:s23] =	ssyncset.done $0x0  }
0xa4: {  	s25 =	simm.s32 $0x1B8E;
	s24 =	sld [smem:$0x3FFE];
	[sflag:s23] =	ssyncadd.s32 $0xFFFFFFFF  }
0xa5: {  	s26 =	simm.s32 $execute0_lowered;
	[smem:$0x3FD2] =	sst s25  }
0xa6: {  	s4 =	sshll.u32 s26, $0x1;
	_ =	strace $0x80000046;
	[dreg:$0x1] =	wrdreg $0xFFFFFFFF  }
0xa7: {  	s28 =	simm.s32 $_size_execute0_lowered;
	s2 =	sadd.s32 s2, s4;
	[dreg:$0x0] =	wrdreg $0x0  }
0xa8: {  	s4 =	sshll.u32 s28, $0x1;
	[dreg:$0x2] =	wrdreg s2  }
0xa9: {  	[dreg:$0x3] =	wrdreg s4  }
0xaa: {  	[dreg:$0x4] =	wrdreg $0xC0  }
0xab: {  	_ =	task [dreg:s6], $0x5FFFF  }
0xac: {  	[dreg:$0x1] =	wrdreg $0xFFFFFFFF  }
0xad: {  	[dreg:$0x0] =	wrdreg $0x60  }
0xae: {  	[dreg:$0x2] =	wrdreg s24  }
0xaf: {  	[dreg:$0x3] =	wrdreg $0x28800  }
0xb0: {  	[dreg:$0x4] =	wrdreg $0x9  }
0xb1: {  	_ =	task.clear_ibuf [dreg:s6], $0x5FFFF;
	_ =	strace $0x90000046  }
0xb2: {  	s29 =	simm.s32 $0x9;
	_ =	strace $0x80000048  }
0xb3: {  	_ =	swait.ge [sflag:s29], $0x1  }
0xb4: {  	[sflag:s29] =	ssyncadd.s32 $0xFFFFFFFF  }
0xb5: {  	_ =	strace $0x90000048  }
0xb6: {  	_ =	sfence  }
0xb7: {  	s30 =	sld [smem:$0x0];
	_ =	sdelay $0x2  }
0xb8: {  	s31 =	sshll.u32 s1, $0xD;
	s1 =	sshrl.u32 s1, $0x2  }
0xb9: {  	s3 =	sand.u32 $0x4000, s31;
	s1 =	sadd.s32 s1, s30  }
0xba: {  	s0 =	sor.u32 s3, s0;
	s1 =	sshll.u32 s1, $0x11  }
0xbb: {  	s0 =	sor.u32 s1, s0  }
0xbc: {  	s0 =	sadd.s32 $0x8F2B, s0  }
0xbd: {  	[sflag:s0] =	ssyncadd.remote.s32 $0x1  }
0xbe: {  	_ =	sfence.sel $0xFFFF  }
0xbf: {  	[dreg:$0x0] =	wrdreg $0xFFFFFFFF;
	(pc) =	sbr.abs _section_cstart, $3  }
0xc0: {  	[dreg:$0x1] =	wrdreg $0xFFFFFFFF  }
0xc1: {  	_ =	task.clear_ibuf [dreg:s6], $0x2FFFF;
	_ =	strace $0x9FFFFFFF  }
0xc2: {  	(tm) =	ssettm $0x7FFFFFFF  }
0xc3: {  	_ =	shalt  }
tec
execute0_lowered:
.L_overlay_start_1:
0x0: {  	(tag) =	ssettag $0x1  }
0x1: {  	s1 =	srdreg.scid;
	s5 =	rddreg [dreg:$0x0]  }
0x2: {  	s0 =	stileid.u32;
	s2 =	rddreg [dreg:$0x1]  }
0x3: {  	s3 =	simm.s32 $0x0;
	s12 =	simm.s32 $0x2800;
	s13 =	simm.s32 $0x100  }
0x4: {  	s14 =	simm.s32 $0x180;
	s15 =	simm.s32 $0x200;
	s16 =	simm.s32 $0x1  }
0x5: {  	s17 =	simm.s32 $0x2;
	s18 =	simm.s32 $0x3;
	s19 =	simm.s32 $0x4  }
0x6: {  	s20 =	simm.s32 $0x5;
	s21 =	simm.s32 $0x0;
	s4 =	sand.u32 $0x1, s1  }
0x7: {  	s29 =	sshll.u32 s0, $0x1;
	s7 =	smul.u32 $0x280, s0;
	[smem:$0x7FF] =	sst s3  }
0x8: {  	s31 =	sshll.u32 s0, $0x6;
	s1 =	sor.u32 s4, s29;
	s8 =	smul.u32 $0x2800, s4  }
0x9: {  	s4 =	ssub.s32 $0x2, s4;
	s6 =	smul.u32 $0x500, s1;
	s1 =	rddreg [dreg:$0x2]  }
0xa: {  	_ =	strace $0x80000047;
	s9 =	sshrl.u32 s7, $0x3;
	s30 =	sshrl.u32 s4, $0x1  }
0xb: {  	s11 =	sadd.s32 s7, s2;
	s8 =	sadd.s32 s7, s8;
	s9 =	sadd.s32 s9, s5  }
0xc: {  	s10 =	ssub.s32 s4, s30;
	s6 =	sadd.s32 s6, s5;
	s8 =	sshrl.u32 s8, $0x3  }
0xd: {  	s4 =	sadd.s32 $0xBC00, s9;
	s9 =	sshrl.u32 s11, $0x3;
	s11 =	simm.s32 $0x80  }
0xe: {  	s8 =	sadd.s32 s8, s5;
	s5 =	sor.u32 $0x1C06, s31;
	s6 =	sadd.s32 $0x1C00, s6  }
0xf: {  	v0 =	vimm.f32 $1.000000000e+00;
	s7 =	sadd.s32 $0xC200, s8;
	s8 =	smax.u32 s10, $0x1;
	s10 =	simm.s32 $0x6  }
.LBB2_1:
0x10: {  	[spmem:s9], [sflag:s5] =	dma.local [hbm:s4], $0x50  }
0x11: {  	_ =	swait.ge [sflag:s10], $0x50  }
0x12: {  	[sflag:s10] =	ssyncset.done $0x0  }
0x13: {  	[sflag:s10] =	ssyncadd.s32 $0xFFFFFFB0  }
0x14: {  	[tilespmem:s3], [sflag:$0x6] =	stream.linear.gather [hbm4b:s6+s3], $0x2800, $0x38;
	[tilespmem:$0x2B00] =	vst v63  }
0x15: {  	_ =	swait.ge [sflag:s10], $0x2800  }
0x16: {  	[sflag:s10] =	ssyncset.done $0x0  }
0x17: {  	[sflag:s10] =	ssyncadd.s32 $0xFFFFD800  }
0x18: {  	[tilespmem:$0x2800] =	vst v0  }
0x19: {  	[tilespmem:$0x2810] =	vst v0  }
0x1a: {  	[tilespmem:$0x2820] =	vst v0  }
0x1b: {  	[tilespmem:$0x2830] =	vst v0  }
0x1c: {  	[tilespmem:$0x2840] =	vst v0  }
0x1d: {  	[tilespmem:$0x2850] =	vst v0  }
0x1e: {  	[tilespmem:$0x2860] =	vst v0  }
0x1f: {  	[tilespmem:$0x2870] =	vst v0  }
0x20: {  	[bflag:$0x0] =	sbarrier.arrive $0xFFFF  }
0x21: {  	[spmem:s2] =	stream.indirect.scatter.add.f32 [tilespmem:s12], [sflag:$0x1], $0x1, s3, s11, $0xb8;
	[tilespmem:$0x2B00] =	vst v63  }
0x22: {  	_ = 	snop  }
0x23: {  	[spmem:s2] =	stream.indirect.scatter.add.f32 [tilespmem:s12], [sflag:$0x2], $0x1, s11, s11, $0xb8;
	[tilespmem:$0x2B00] =	vst v63  }
0x24: {  	_ = 	snop  }
0x25: {  	[spmem:s2] =	stream.indirect.scatter.add.f32 [tilespmem:s12], [sflag:$0x3], $0x1, s13, s11, $0xb8;
	[tilespmem:$0x2B00] =	vst v63  }
0x26: {  	_ = 	snop  }
0x27: {  	[spmem:s2] =	stream.indirect.scatter.add.f32 [tilespmem:s12], [sflag:$0x4], $0x1, s14, s11, $0xb8;
	[tilespmem:$0x2B00] =	vst v63  }
0x28: {  	_ = 	snop  }
0x29: {  	[spmem:s2] =	stream.indirect.scatter.add.f32 [tilespmem:s12], [sflag:$0x5], $0x1, s15, s11, $0xb8;
	[tilespmem:$0x2B00] =	vst v63  }
0x2a: {  	_ =	swait.ge [sflag:s16], $0x80  }
0x2b: {  	[sflag:s16] =	ssyncset.done $0x0  }
0x2c: {  	[sflag:s16] =	ssyncadd.s32 $0xFFFFFF80  }
0x2d: {  	_ =	swait.ge [sflag:s17], $0x80  }
0x2e: {  	[sflag:s17] =	ssyncset.done $0x0  }
0x2f: {  	[sflag:s17] =	ssyncadd.s32 $0xFFFFFF80  }
0x30: {  	_ =	swait.ge [sflag:s18], $0x80  }
0x31: {  	[sflag:s18] =	ssyncset.done $0x0  }
0x32: {  	[sflag:s18] =	ssyncadd.s32 $0xFFFFFF80  }
0x33: {  	_ =	swait.ge [sflag:s19], $0x80  }
0x34: {  	[sflag:s19] =	ssyncset.done $0x0  }
0x35: {  	[sflag:s19] =	ssyncadd.s32 $0xFFFFFF80  }
0x36: {  	_ =	swait.ge [sflag:s20], $0x80  }
0x37: {  	[sflag:s20] =	ssyncset.done $0x0  }
0x38: {  	s22 =	simm.s32 $0x280;
	[sflag:s20] =	ssyncadd.s32 $0xFFFFFF80  }
0x39: {  	[spmem:s2] =	stream.indirect.scatter.add.f32 [tilespmem:s12], [sflag:$0x1], $0x1, s22, s11, $0xb8;
	[tilespmem:$0x2B00] =	vst v63  }
0x3a: {  	s29 =	simm.s32 $0x300  }
0x3b: {  	[spmem:s2] =	stream.indirect.scatter.add.f32 [tilespmem:s12], [sflag:$0x2], $0x1, s29, s11, $0xb8;
	[tilespmem:$0x2B00] =	vst v63  }
0x3c: {  	s30 =	simm.s32 $0x380  }
0x3d: {  	[spmem:s2] =	stream.indirect.scatter.add.f32 [tilespmem:s12], [sflag:$0x3], $0x1, s30, s11, $0xb8;
	[tilespmem:$0x2B00] =	vst v63  }
0x3e: {  	s31 =	simm.s32 $0x400;
	s23 =	simm.s32 $0x480;
	s22 =	simm.s32 $0xFFFF7400  }
0x3f: {  	[spmem:s2] =	stream.indirect.scatter.add.f32 [tilespmem:s12], [sflag:$0x4], $0x1, s31, s11, $0xb8;
	[tilespmem:$0x2B00] =	vst v63  }
.LBB2_2:
0x40: {  	[spmem:s2] =	stream.indirect.scatter.add.f32 [tilespmem:s12], [sflag:$0x5], $0x1, s23, s11, $0xb8;
	[tilespmem:$0x2B00] =	vst v63  }
0x41: {  	s23 =	smov.u32 s22  }
0x42: {  	p0 =	sne.s32 s22, $0xFFFFF600;
	s22 =	sadd.s32 $0xA00, s22;
	_ =	swait.ge [sflag:s16], $0x80  }
0x43: {  	[sflag:s16] =	ssyncset.done $0x0  }
0x44: {  	[sflag:s16] =	ssyncadd.s32 $0xFFFFFF80  }
0x45: {  	_ =	swait.ge [sflag:s17], $0x80  }
0x46: {  	[sflag:s17] =	ssyncset.done $0x0  }
0x47: {  	[sflag:s17] =	ssyncadd.s32 $0xFFFFFF80  }
0x48: {  	_ =	swait.ge [sflag:s18], $0x80  }
0x49: {  	[sflag:s18] =	ssyncset.done $0x0  }
0x4a: {  	[sflag:s18] =	ssyncadd.s32 $0xFFFFFF80  }
0x4b: {  	_ =	swait.ge [sflag:s19], $0x80  }
0x4c: {  	[sflag:s19] =	ssyncset.done $0x0  }
0x4d: {  	[sflag:s19] =	ssyncadd.s32 $0xFFFFFF80  }
0x4e: {  	_ =	swait.ge [sflag:s20], $0x80  }
0x4f: {  	s23 =	sshra.s32 s23, $0x2;
	[sflag:s20] =	ssyncset.done $0x0  }
0x50: {  	s24 =	sadd.s32 $0x2800, s23;
	[sflag:s20] =	ssyncadd.s32 $0xFFFFFF80  }
0x51: {  	[spmem:s2] =	stream.indirect.scatter.add.f32 [tilespmem:s12], [sflag:$0x1], $0x1, s24, s11, $0xb8;
	[tilespmem:$0x2B00] =	vst v63  }
0x52: {  	s24 =	sadd.s32 $0x2880, s23  }
0x53: {  	[spmem:s2] =	stream.indirect.scatter.add.f32 [tilespmem:s12], [sflag:$0x2], $0x1, s24, s11, $0xb8;
	[tilespmem:$0x2B00] =	vst v63  }
.Ltmp0:
0x54: {  	s24 =	sadd.s32 $0x2900, s23;
	(pc) =	sbr.rel @p0 .LBB2_2-.Ltmp0, $4  }
0x55: {  	[spmem:s2] =	stream.indirect.scatter.add.f32 [tilespmem:s12], [sflag:$0x3], $0x1, s24, s11, $0xb8;
	[tilespmem:$0x2B00] =	vst v63  }
0x56: {  	s24 =	sadd.s32 $0x2980, s23  }
0x57: {  	[spmem:s2] =	stream.indirect.scatter.add.f32 [tilespmem:s12], [sflag:$0x4], $0x1, s24, s11, $0xb8;
	[tilespmem:$0x2B00] =	vst v63  }
0x58: {  	s23 =	sadd.s32 $0x2A00, s23  }
0x59: {  	[spmem:s2] =	stream.indirect.scatter.add.f32 [tilespmem:s12], [sflag:$0x5], $0x1, s23, s11, $0xb8;
	[tilespmem:$0x2B00] =	vst v63  }
0x5a: {  	_ =	swait.ge [sflag:s16], $0x80  }
0x5b: {  	[sflag:s16] =	ssyncset.done $0x0  }
0x5c: {  	[sflag:s16] =	ssyncadd.s32 $0xFFFFFF80  }
0x5d: {  	_ =	swait.ge [sflag:s17], $0x80  }
0x5e: {  	[sflag:s17] =	ssyncset.done $0x0  }
0x5f: {  	[sflag:s17] =	ssyncadd.s32 $0xFFFFFF80  }
0x60: {  	_ =	swait.ge [sflag:s18], $0x80  }
0x61: {  	[sflag:s18] =	ssyncset.done $0x0  }
0x62: {  	[sflag:s18] =	ssyncadd.s32 $0xFFFFFF80  }
0x63: {  	_ =	swait.ge [sflag:s19], $0x80  }
0x64: {  	[sflag:s19] =	ssyncset.done $0x0  }
0x65: {  	[sflag:s19] =	ssyncadd.s32 $0xFFFFFF80  }
0x66: {  	_ =	swait.ge [sflag:s20], $0x80  }
0x67: {  	s21 =	sadd.s32 $0x1, s21;
	[sflag:s20] =	ssyncset.done $0x0  }
0x68: {  	p0 =	sne.s32 s21, s8;
	[sflag:s20] =	ssyncadd.s32 $0xFFFFFF80  }
.Ltmp1:
0x69: {  	[bflag:$0x0] =	sbarrier.arrive $0xFFFF;
	(pc) =	sbr.rel @p0 .LBB2_1-.Ltmp1, $4  }
0x6a: {  	[hbm:s7], [sflag:s5] =	dma.local [spmem:s9], $0x50  }
0x6b: {  	_ =	swait.ge [sflag:s10], $0x50  }
0x6c: {  	[sflag:s10] =	ssyncset.done $0x0  }
0x6d: {  	[sflag:s10] =	ssyncadd.s32 $0xFFFFFFB0  }
0x6e: {  	_ =	sfence.sel $0x180000  }
0x6f: {  	[bflag:$0x0] =	sbarrier.arrive $0xFFFF  }
0x70: {  	p0 =	sne.s32 s0, $0x0;
	_ =	strace $0x90000047  }
0x71: {  	s0 =	sadd.s32 @!p0 $0x100000, s1;
	[bflag:$0x2] =	sbarrier.arrive $0xFFFF  }
0x72: {  	[sflag:s0] =	ssyncadd.tile.s32 @!p0 $0x1;
	_ =	shalt  }
.Lfunc_end2:
_tile_overlayer_lowered:
.L_overlay_start_2:
0x73: {  	(tag) =	ssettag $0x2  }
0x74: {  	s0 =	rddreg [dreg:$0x0];
	s2 =	stileid.u32  }
0x75: {  	s1 =	rddreg [dreg:$0x1];
	p0 =	sne.s32 s2, $0x0  }
0x76: {  	s3 =	rddreg [dreg:$0x2];
	[bflag:$0x3] =	sbarrier.arrive $0xFFFF;
	s2 =	simm.s32 @!p0 $0x1C06  }
0x77: {  	[timem:s3], [sflag:s2] =	dma.local @!p0 [hbm:s0], s1  }
0x78: {  	s0 =	simm.s32 @!p0 $0x6  }
0x79: {  	_ =	swait.ge @!p0 [sflag:s0], s1  }
0x7a: {  	s1 =	ssub.s32 @!p0 $0x0, s1;
	[sflag:s0] =	ssyncset.done @!p0 $0x0  }
0x7b: {  	[sflag:s0] =	ssyncadd.s32 @!p0 s1  }
0x7c: {  	[bflag:$0x3] =	sbarrier.arrive $0xFFFF  }
0x7d: {  	_ =	shalt  }

// kernel: kernel.9.cloned.1.call-start
scs
__scs_entry_jumppad:
0x0: {  	(pc) =	sbr.rel $0x88, $3  }
0x1: {  	(tag) =	ssettag $0x0;
	lr =	simm.s32 $0x1  }
0x2: {  	[smem:$0x3F97] =	sst lr;
	_ =	strace $0xD0000000  }
0x3: {  	_ = 	snop  }
0x4: {  	_ = 	snop  }
0x5: {  	_ = 	snop  }
0x6: {  	_ = 	snop  }
0x7: {  	_ = 	snop  }
__scs_overlays_trampoline_lowered:
0x8: {  	[smem:$0x3FA6] =	sst s0  }
0x9: {  	[smem:$0x3FA7] =	sst s1  }
0xa: {  	[smem:$0x3FA8] =	sst s2  }
0xb: {  	[smem:$0x3FA9] =	sst s3  }
0xc: {  	[smem:$0x3FAA] =	sst s4  }
0xd: {  	[smem:$0x3FAB] =	sst s5  }
0xe: {  	[smem:$0x3FAC] =	sst s6  }
0xf: {  	[smem:$0x3FAD] =	sst s7  }
0x10: {  	[smem:$0x3FAE] =	sst s8  }
0x11: {  	[smem:$0x3FAF] =	sst s9;
	s0 =	simm.s32 @!p0 $0x0  }
0x12: {  	s1 =	sld [smem:$0x3F95];
	s0 =	simm.s32 @p0 $0x1  }
0x13: {  	[smem:$0x3FB0] =	sst s0;
	s0 =	simm.s32 @!p1 $0x0  }
0x14: {  	s2 =	sld [smem:$0x3F94];
	s0 =	simm.s32 @p1 $0x1  }
0x15: {  	[smem:$0x3FB1] =	sst s0;
	s0 =	simm.s32 @!p2 $0x0  }
0x16: {  	s3 =	sld [smem:$0x3FDB];
	s0 =	simm.s32 @p2 $0x1  }
0x17: {  	s4 =	simm.s32 $0x1BF5;
	[smem:$0x3FB3] =	sst s0  }
0x18: {  	s0 =	sld [smem:$0x3F96];
	_ =	swait.ge [sflag:s4], $0x0  }
0x19: {  	s7 =	sld [smem:$0x3F97]  }
0x1a: {  	s8 =	sadd.s32 $0xFFFFE003, lr  }
0x1b: {  	s9 =	sadd.s32 $0xFFFFFEF7, lr;
	s5 =	simm.s32 $0xFFFFFFFF;
	p2 =	slt.u32 s8, $0xFFFFF086  }
0x1c: {  	p1 =	slt.u32 s9, $0xF7A;
	s5 =	simm.s32 @!p2 $0x0  }
0x1d: {  	s5 =	simm.s32 @p1 $0x1;
	p0 =	seq.s32 s7, s2  }
0x1e: {  	s7 =	smul.u32 @!p0 $0xF7A, s2;
	p2 =	seq.s32 @!p0 s5, $0x0  }
0x1f: {  	s9 =	smul.u32 $0xF7A, s1;
	s8 =	simm.s32 @!p0 $0x1BF5;
	p2 =	por !p2, p0  }
0x20: {  	[sflag:s8] =	ssyncset.s32 @!p0 $0xFFFFF086;
	s6 =	sadd.s32 @!p0 s3, s7;
	s7 =	simm.s32 @!p0 $0x108  }
0x21: {  	s3 =	sadd.s32 s3, s9;
	s6 =	sadd.s32 @!p0 $0x88, s6;
	s7 =	simm.s32 @p2 $0x1082  }
0x22: {  	[simem:s7], [sflag:s8] =	dma.local @!p0 [hbm:s6], $0xF7A  }
0x23: {  	s9 =	sor.u32 $0xD0000000, s2;
	s6 =	simm.s32 $0x108;
	_ =	swait.ge @!p0 [sflag:s8], $0x0  }
0x24: {  	s3 =	sadd.s32 $0x88, s3;
	s6 =	simm.s32 @!p1 $0x1082;
	[sflag:s4] =	ssyncset.s32 $0xFFFFF086  }
0x25: {  	[simem:s6], [sflag:s4] =	dma.local [hbm:s3], $0xF7A  }
0x26: {  	[smem:$0x3F97] =	sst s1;
	(tag) =	ssettag s2;
	_ =	strace s9  }
0x27: {  	s1 =	sld [smem:$0x3FA7]  }
0x28: {  	s2 =	sld [smem:$0x3FA8]  }
0x29: {  	s4 =	sld [smem:$0x3FAA]  }
0x2a: {  	p0 =	seq.s32 s5, $0x0;
	s5 =	sld [smem:$0x3FAB]  }
0x2b: {  	s6 =	sld [smem:$0x3FAC]  }
0x2c: {  	s7 =	sld [smem:$0x3FAD]  }
0x2d: {  	s3 =	simm.s32 $0x108;
	s8 =	sld [smem:$0x3FAE]  }
0x2e: {  	s3 =	simm.s32 @!p0 $0x1082;
	s9 =	sld [smem:$0x3FAF]  }
0x2f: {  	lr =	sadd.s32 s0, s3;
	s0 =	sld [smem:$0x3FA6]  }
0x30: {  	s3 =	sld [smem:$0x3FA9]  }
0x31: {  	[smem:$0x3FB2] =	sst s10  }
0x32: {  	s10 =	sld [smem:$0x3FB0];
	_ =	sdelay $0x3  }
0x33: {  	p0 =	seq.s32 s10, $0x1;
	s10 =	sld [smem:$0x3FB2];
	_ =	sdelay $0x3  }
0x34: {  	[smem:$0x3FB2] =	sst s10  }
0x35: {  	s10 =	sld [smem:$0x3FB1];
	_ =	sdelay $0x3  }
0x36: {  	p1 =	seq.s32 s10, $0x1;
	s10 =	sld [smem:$0x3FB2];
	_ =	sdelay $0x3  }
0x37: {  	[smem:$0x3FB2] =	sst s10  }
0x38: {  	s10 =	sld [smem:$0x3FB3]  }
0x39: {  	_ = 	snop;
	(pc) =	sbr.ind lr, $3  }
0x3a: {  	_ = 	snop  }
0x3b: {  	_ = 	snop  }
0x3c: {  	p2 =	seq.s32 s10, $0x1;
	s10 =	sld [smem:$0x3FB2]  }
0x3d: {  	_ =	shalt  }
0x3e: {  	_ =	shalt  }
0x3f: {  	_ =	shalt  }
0x40: {  	_ =	shalt  }
0x41: {  	_ =	shalt  }
0x42: {  	_ =	shalt  }
0x43: {  	_ =	shalt  }
0x44: {  	_ =	shalt  }
0x45: {  	_ =	shalt  }
0x46: {  	_ =	shalt  }
0x47: {  	_ =	shalt  }
0x48: {  	_ =	shalt  }
0x49: {  	_ =	shalt  }
0x4a: {  	_ =	shalt  }
0x4b: {  	_ =	shalt  }
0x4c: {  	_ =	shalt  }
0x4d: {  	_ =	shalt  }
0x4e: {  	_ =	shalt  }
0x4f: {  	_ =	shalt  }
0x50: {  	_ =	shalt  }
0x51: {  	_ =	shalt  }
0x52: {  	_ =	shalt  }
0x53: {  	_ =	shalt  }
0x54: {  	_ =	shalt  }
0x55: {  	_ =	shalt  }
0x56: {  	_ =	shalt  }
0x57: {  	_ =	shalt  }
0x58: {  	_ =	shalt  }
0x59: {  	_ =	shalt  }
0x5a: {  	_ =	shalt  }
0x5b: {  	_ =	shalt  }
0x5c: {  	_ =	shalt  }
0x5d: {  	_ =	shalt  }
0x5e: {  	_ =	shalt  }
0x5f: {  	_ =	shalt  }
0x60: {  	_ =	shalt  }
0x61: {  	_ =	shalt  }
0x62: {  	_ =	shalt  }
0x63: {  	_ =	shalt  }
0x64: {  	_ =	shalt  }
0x65: {  	_ =	shalt  }
0x66: {  	_ =	shalt  }
0x67: {  	_ =	shalt  }
0x68: {  	_ =	shalt  }
0x69: {  	_ =	shalt  }
0x6a: {  	_ =	shalt  }
0x6b: {  	_ =	shalt  }
0x6c: {  	_ =	shalt  }
0x6d: {  	_ =	shalt  }
0x6e: {  	_ =	shalt  }
0x6f: {  	_ =	shalt  }
0x70: {  	_ =	shalt  }
0x71: {  	_ =	shalt  }
0x72: {  	_ =	shalt  }
0x73: {  	_ =	shalt  }
0x74: {  	_ =	shalt  }
0x75: {  	_ =	shalt  }
0x76: {  	_ =	shalt  }
0x77: {  	_ =	shalt  }
0x78: {  	_ =	shalt  }
0x79: {  	_ =	shalt  }
0x7a: {  	_ =	shalt  }
0x7b: {  	_ =	shalt  }
0x7c: {  	_ =	shalt  }
0x7d: {  	_ =	shalt  }
0x7e: {  	_ =	shalt  }
0x7f: {  	_ =	shalt  }
0x80: {  	_ =	shalt  }
0x81: {  	_ =	shalt  }
0x82: {  	_ =	shalt  }
0x83: {  	_ =	shalt  }
0x84: {  	_ =	shalt  }
0x85: {  	_ =	shalt  }
0x86: {  	_ =	shalt  }
0x87: {  	_ =	shalt  }
.Lfunc_end0:
.L_simem_size_0:
called_computation.1_lowered:
.L_overlay_start_0:
0x88: {  	s2 =	sld [smem:$0x3FD9]  }
0x89: {  	s3 =	sld [smem:$0x3FFE];
	_ =	sdelay $0x1  }
0x8a: {  	s1 =	srdreg.scid  }
0x8b: {  	s0 =	sand.u32 $0x1, s1  }
0x8c: {  	s16 =	sshll.u32 s0, $0xA;
	s2 =	sadd.s32 s3, s2  }
0x8d: {  	s2 =	sadd.s32 s2, s16  }
0x8e: {  	[smem:$0x3FBE] =	sst s2  }
0x8f: {  	_ = 	snop  }
0x90: {  	(tm) =	ssettm $0x1  }
0x91: {  	s17 =	sld [smem:$0x3FFB];
	_ =	sdelay $0x3  }
0x92: {  	_ =	strace s17  }
0x93: {  	s2 =	sld [smem:$0x3FFC];
	_ =	sdelay $0x3  }
0x94: {  	_ =	strace s2  }
0x95: {  	s2 =	sld [smem:$0x3FFD];
	_ =	sdelay $0x3  }
0x96: {  	_ =	strace s2  }
0x97: {  	_ =	strace $0x8FFFFFFF  }
0x98: {  	s18 =	sld [smem:$0x3FDB];
	_ =	sdelay $0x1  }
0x99: {  	s19 =	simm.s32 $_scs_section_size  }
0x9a: {  	s4 =	simm.s32 $_size__tile_overlayer_lowered;
	s5 =	simm.s32 $_tile_overlayer_lowered  }
0x9b: {  	s22 =	simm.s32 $0x1BFF;
	s21 =	sshll.u32 s5, $0x1;
	s2 =	sadd.s32 s19, s18  }
0x9c: {  	s6 =	simm.s32 $0x0;
	s20 =	sshll.u32 s4, $0x1;
	s4 =	sadd.s32 s21, s2  }
0x9d: {  	[timem:s6], [sflag:s22] =	dma.local [hbm:s4], s20  }
0x9e: {  	_ =	swait.ge [sflag:s22], s20  }
0x9f: {  	s3 =	ssub.s32 $0x0, s20;
	[sflag:s22] =	ssyncset.done $0x0  }
0xa0: {  	[sflag:s22] =	ssyncadd.s32 s3;
	_ =	sdelay $0x1  }
0xa1: {  	s23 =	simm.s32 $0x1B8B  }
0xa2: {  	_ =	swait.ge [sflag:s23], $0x1  }
0xa3: {  	[sflag:s23] =	ssyncset.done $0x0  }
0xa4: {  	s25 =	simm.s32 $0x1B8E;
	s24 =	sld [smem:$0x3FFE];
	[sflag:s23] =	ssyncadd.s32 $0xFFFFFFFF  }
0xa5: {  	s26 =	simm.s32 $execute0_lowered;
	[smem:$0x3FD2] =	sst s25  }
0xa6: {  	s4 =	sshll.u32 s26, $0x1;
	_ =	strace $0x80000049;
	[dreg:$0x1] =	wrdreg $0xFFFFFFFF  }
0xa7: {  	s28 =	simm.s32 $_size_execute0_lowered;
	s2 =	sadd.s32 s2, s4;
	[dreg:$0x0] =	wrdreg $0x0  }
0xa8: {  	s4 =	sshll.u32 s28, $0x1;
	[dreg:$0x2] =	wrdreg s2  }
0xa9: {  	[dreg:$0x3] =	wrdreg s4  }
0xaa: {  	[dreg:$0x4] =	wrdreg $0xC0  }
0xab: {  	_ =	task [dreg:s6], $0x5FFFF  }
0xac: {  	[dreg:$0x1] =	wrdreg $0xFFFFFFFF  }
0xad: {  	[dreg:$0x0] =	wrdreg $0x60  }
0xae: {  	[dreg:$0x2] =	wrdreg s24  }
0xaf: {  	[dreg:$0x3] =	wrdreg $0x11A800  }
0xb0: {  	[dreg:$0x4] =	wrdreg $0x1BA800  }
0xb1: {  	[dreg:$0x5] =	wrdreg $0x9  }
0xb2: {  	_ =	task.clear_ibuf [dreg:s6], $0x6FFFF;
	_ =	strace $0x90000049  }
0xb3: {  	s29 =	simm.s32 $0x9;
	_ =	strace $0x8000004B  }
0xb4: {  	_ =	swait.ge [sflag:s29], $0x1  }
0xb5: {  	[sflag:s29] =	ssyncadd.s32 $0xFFFFFFFF  }
0xb6: {  	_ =	strace $0x9000004B  }
0xb7: {  	_ =	sfence  }
0xb8: {  	s30 =	sld [smem:$0x0];
	_ =	sdelay $0x2  }
0xb9: {  	s31 =	sshll.u32 s1, $0xD;
	s1 =	sshrl.u32 s1, $0x2  }
0xba: {  	s3 =	sand.u32 $0x4000, s31;
	s1 =	sadd.s32 s1, s30  }
0xbb: {  	s0 =	sor.u32 s3, s0;
	s1 =	sshll.u32 s1, $0x11  }
0xbc: {  	s0 =	sor.u32 s1, s0  }
0xbd: {  	s0 =	sadd.s32 $0x8F2B, s0  }
0xbe: {  	[sflag:s0] =	ssyncadd.remote.s32 $0x1  }
0xbf: {  	_ =	sfence.sel $0xFFFF  }
0xc0: {  	[dreg:$0x0] =	wrdreg $0xFFFFFFFF;
	(pc) =	sbr.abs _section_cstart, $3  }
0xc1: {  	[dreg:$0x1] =	wrdreg $0xFFFFFFFF  }
0xc2: {  	_ =	task.clear_ibuf [dreg:s6], $0x2FFFF;
	_ =	strace $0x9FFFFFFF  }
0xc3: {  	(tm) =	ssettm $0x7FFFFFFF  }
tec
execute0_lowered:
.L_overlay_start_1:
0x0: {  	(tag) =	ssettag $0x1  }
0x1: {  	s0 =	rddreg [dreg:$0x0]  }
0x2: {  	s1 =	srdreg.scid;
	s2 =	rddreg [dreg:$0x1]  }
0x3: {  	s13 =	stileid.u32;
	s3 =	rddreg [dreg:$0x2]  }
0x4: {  	s5 =	simm.s32 $0x0;
	s23 =	simm.s32 $0x11800;
	s24 =	simm.s32 $0x11880  }
0x5: {  	s25 =	simm.s32 $0x11900;
	s26 =	simm.s32 $0x11980;
	s31 =	simm.s32 $0x11A00  }
0x6: {  	s28 =	simm.s32 $0x3;
	s29 =	simm.s32 $0xF800;
	s30 =	simm.s32 $0x4  }
0x7: {  	s14 =	simm.s32 $0x0;
	s1 =	sand.u32 $0x1, s1;
	s4 =	sshll.u32 s13, $0x1  }
0x8: {  	[smem:$0x7FF] =	sst s5;
	s6 =	smul.u32 $0xA000, s13;
	s8 =	sadd.s32 $0xC200, s0  }
0x9: {  	s7 =	smul.u32 $0x280, s13;
	_ =	strace $0x8000004A;
	[dreg:$0x9] =	wrdreg s8  }
0xa: {  	s5 =	sadd.s32 $0x16C00, s0;
	s18 =	sshll.u32 s13, $0x6;
	[dreg:$0x4] =	wrdreg s23  }
0xb: {  	s13 =	simm.s32 $0xF;
	s15 =	smul.u32 $0xA0000, s1;
	[dreg:$0x5] =	wrdreg s24  }
0xc: {  	s4 =	sor.u32 s1, s4;
	s11 =	smul.u32 $0x2800, s1;
	[dreg:$0x6] =	wrdreg s25  }
0xd: {  	s1 =	ssub.s32 $0x2, s1;
	[dreg:$0x7] =	wrdreg s26;
	s23 =	simm.s32 $0x1  }
0xe: {  	s24 =	simm.s32 $0xB800;
	[dreg:$0x8] =	wrdreg s31;
	s25 =	simm.s32 $0x2  }
0xf: {  	s26 =	simm.s32 $0xD800;
	s4 =	smul.u32 $0x500, s4;
	s9 =	sshrl.u32 s6, $0x3  }
0x10: {  	s10 =	sshrl.u32 s7, $0x3;
	s17 =	sshrl.u32 s1, $0x1;
	s9 =	sadd.s32 s9, s0  }
0x11: {  	s10 =	sadd.s32 s10, s0;
	s8 =	sadd.s32 s6, s15;
	s11 =	sadd.s32 s7, s11  }
0x12: {  	s1 =	ssub.s32 s1, s17;
	s6 =	sadd.s32 s6, s2;
	s7 =	sadd.s32 s7, s3  }
0x13: {  	s4 =	sadd.s32 s4, s0;
	s8 =	sshrl.u32 s8, $0x3;
	s16 =	sshrl.u32 s11, $0x3  }
0x14: {  	s9 =	sadd.s32 $0x2AC00, s9;
	s19 =	sadd.s32 $0xBC00, s10;
	s22 =	smax.u32 s1, $0x1  }
0x15: {  	s15 =	sshrl.u32 s6, $0x3;
	s17 =	sshrl.u32 s7, $0x3;
	s6 =	simm.s32 $0xC  }
0x16: {  	s7 =	simm.s32 $0x8;
	s10 =	simm.s32 $0x9;
	s11 =	simm.s32 $0xE  }
0x17: {  	s12 =	sadd.s32 s8, s0;
	s0 =	sadd.s32 s16, s0;
	[dreg:$0xa] =	wrdreg s9  }
0x18: {  	s8 =	sor.u32 $0x1C10, s18;
	[dreg:$0xb] =	wrdreg s19;
	s20 =	sadd.s32 $0xCC00, s4  }
0x19: {  	s4 =	sadd.s32 $0x1C00, s4;
	[dreg:$0x10] =	wrdreg s22;
	s16 =	simm.s32 $0x10  }
0x1a: {  	s19 =	simm.s32 $0x5000;
	s22 =	simm.s32 $0x9800;
	[dreg:$0xc] =	wrdreg s20  }
0x1b: {  	s9 =	simm.s32 $0xD;
	[dreg:$0xd] =	wrdreg s4;
	s21 =	sadd.s32 $0x3EC00, s12  }
0x1c: {  	s0 =	sadd.s32 $0x66C00, s0;
	s20 =	simm.s32 $0x80;
	[dreg:$0xe] =	wrdreg s21  }
0x1d: {  	s12 =	simm.s32 $0xA;
	[dreg:$0xf] =	wrdreg s0;
	s21 =	simm.s32 $0x7800  }
.LBB2_1:
0x1e: {  	s0 =	rddreg [dreg:$0xa]  }
0x1f: {  	[spmem:s15], [sflag:s8] =	dma.local [hbm:s0], $0x1400  }
0x20: {  	_ =	swait.ge [sflag:s16], $0x1400  }
0x21: {  	[sflag:s16] =	ssyncset.done $0x0  }
0x22: {  	s4 =	rddreg [dreg:$0xb];
	[sflag:s16] =	ssyncadd.s32 $0xFFFFEC00  }
0x23: {  	[spmem:s17], [sflag:s8] =	dma.local [hbm:s4], $0x50  }
0x24: {  	_ =	swait.ge [sflag:s16], $0x50  }
0x25: {  	[sflag:s16] =	ssyncset.done $0x0  }
0x26: {  	s0 =	simm.s32 $0x0;
	s1 =	rddreg [dreg:$0xc];
	[sflag:s16] =	ssyncadd.s32 $0xFFFFFFB0  }
0x27: {  	[tilespmem:s0], [sflag:$0x10] =	stream.linear.gather [hbm4b:s1+s0], $0x2800, $0x38;
	[tilespmem:$0x1BD00] =	vst v63  }
0x28: {  	_ =	swait.ge [sflag:s16], $0x2800  }
0x29: {  	[sflag:s16] =	ssyncset.done $0x0  }
0x2a: {  	s4 =	simm.s32 $0x2800;
	s18 =	rddreg [dreg:$0xd];
	[sflag:s16] =	ssyncadd.s32 $0xFFFFD800  }
0x2b: {  	[tilespmem:s4], [sflag:$0x10] =	stream.linear.gather [hbm4b:s18+s0], $0x2800, $0x38;
	[tilespmem:$0x1BD00] =	vst v63  }
0x2c: {  	_ =	swait.ge [sflag:s16], $0x2800  }
0x2d: {  	[sflag:s16] =	ssyncset.done $0x0  }
0x2e: {  	s31 =	rddreg [dreg:$0x9];
	[sflag:s16] =	ssyncadd.s32 $0xFFFFD800  }
0x2f: {  	[tilespmem:s19], [sflag:$0x10] =	stream.linear.gather [hbm4b:s31+s0], $0x2800, $0x38;
	[tilespmem:$0x1BD00] =	vst v63  }
0x30: {  	_ =	swait.ge [sflag:s16], $0x2800  }
0x31: {  	[sflag:s16] =	ssyncset.done $0x0  }
0x32: {  	[sflag:s16] =	ssyncadd.s32 $0xFFFFD800  }
0x33: {  	s4 =	simm.s32 $0x0;
	[bflag:$0x0] =	sbarrier.arrive $0xFFFF  }
.LBB2_2:
0x34: {  	p0 =	seq.s32 s4, $0x0  }
0x35: {  	s31 =	simm.s32 @!p0 $0x6  }
0x36: {  	_ =	swait.ge @!p0 [sflag:s31], $0x2000  }
0x37: {  	[sflag:s31] =	ssyncset.done @!p0 $0x0  }
0x38: {  	[sflag:s31] =	ssyncadd.s32 @!p0 $0xFFFFE000;
	s31 =	simm.s32 @!p0 $0xB  }
0x39: {  	_ =	swait.ge @!p0 [sflag:s31], $0x80  }
0x3a: {  	[sflag:s31] =	ssyncset.done @!p0 $0x0  }
0x3b: {  	[sflag:s31] =	ssyncadd.s32 @!p0 $0xFFFFFF80;
	s31 =	sshra.s32 s4, $0x2  }
0x3c: {  	[tilespmem:s21], [sflag:$0x1] =	stream.indirect.gather [hbm4b:s5+s20], $0x40, s31, s20, $0xb8;
	[tilespmem:$0x1BD00] =	vst v63  }
0x3d: {  	v0 =	vld [tilespmem:s31+$0x2800];
	_ =	sdelay $0x7  }
0x3e: {  	v0 =	vld.idx.msk [tilespmem:v0+s19+$0x0], $0xffff;
	_ =	sdelay $0x4  }
0x3f: {  	[tilespmem:$0x11800] =	vst v0  }
0x40: {  	v0 =	vld [tilespmem:s31+$0x2810];
	_ =	sdelay $0x7  }
0x41: {  	v0 =	vld.idx.msk [tilespmem:v0+s19+$0x0], $0xffff;
	_ =	sdelay $0x4  }
0x42: {  	[tilespmem:$0x11810] =	vst v0  }
0x43: {  	v0 =	vld [tilespmem:s31+$0x2820];
	_ =	sdelay $0x7  }
0x44: {  	v0 =	vld.idx.msk [tilespmem:v0+s19+$0x0], $0xffff;
	_ =	sdelay $0x4  }
0x45: {  	[tilespmem:$0x11820] =	vst v0  }
0x46: {  	v0 =	vld [tilespmem:s31+$0x2830];
	_ =	sdelay $0x7  }
0x47: {  	v0 =	vld.idx.msk [tilespmem:v0+s19+$0x0], $0xffff;
	_ =	sdelay $0x4  }
0x48: {  	[tilespmem:$0x11830] =	vst v0  }
0x49: {  	v0 =	vld [tilespmem:s31+$0x2840];
	_ =	sdelay $0x7  }
0x4a: {  	v0 =	vld.idx.msk [tilespmem:v0+s19+$0x0], $0xffff;
	_ =	sdelay $0x4  }
0x4b: {  	[tilespmem:$0x11840] =	vst v0  }
0x4c: {  	v0 =	vld [tilespmem:s31+$0x2850];
	_ =	sdelay $0x7  }
0x4d: {  	v0 =	vld.idx.msk [tilespmem:v0+s19+$0x0], $0xffff;
	_ =	sdelay $0x4  }
0x4e: {  	[tilespmem:$0x11850] =	vst v0  }
0x4f: {  	v0 =	vld [tilespmem:s31+$0x2860];
	_ =	sdelay $0x7  }
0x50: {  	v0 =	vld.idx.msk [tilespmem:v0+s19+$0x0], $0xffff;
	_ =	sdelay $0x4  }
0x51: {  	[tilespmem:$0x11860] =	vst v0  }
0x52: {  	v0 =	vld [tilespmem:s31+$0x2870];
	_ =	sdelay $0x7  }
0x53: {  	v0 =	vld.idx.msk [tilespmem:v0+s19+$0x0], $0xffff;
	_ =	sdelay $0x4  }
0x54: {  	s0 =	rddreg [dreg:$0x4];
	[tilespmem:$0x11870] =	vst v0  }
0x55: {  	[spmem:s3] =	stream.indirect.scatter.add.f32 [tilespmem:s0], [sflag:$0xB], $0x1, s31, s20, $0xb8;
	[tilespmem:$0x1BD00] =	vst v63  }
0x56: {  	s0 =	simm.s32 @!p0 $0x5  }
0x57: {  	_ =	swait.ge @!p0 [sflag:s0], $0x2000  }
0x58: {  	[sflag:s0] =	ssyncset.done @!p0 $0x0  }
0x59: {  	[sflag:s0] =	ssyncadd.s32 @!p0 $0xFFFFE000;
	s0 =	sshra.s32 @!p0 s4, $0x2  }
0x5a: {  	s18 =	simm.s32 @!p0 $0x80;
	s1 =	simm.s32 @!p0 $0xF800;
	s0 =	sadd.s32 @!p0 $0x2780, s0  }
0x5b: {  	[spmem:s2] =	stream.indirect.scatter.add.f32 @!p0 [tilespmem:s1], [sflag:$0xA], $0x40, s0, s18, $0xb8;
	[tilespmem:$0x1BD00] =	vst v63  }
0x5c: {  	s0 =	simm.s32 @!p0 $0x7  }
0x5d: {  	_ =	swait.ge @!p0 [sflag:s0], $0x2000  }
0x5e: {  	[sflag:s0] =	ssyncset.done @!p0 $0x0  }
0x5f: {  	[sflag:s0] =	ssyncadd.s32 @!p0 $0xFFFFE000;
	s0 =	simm.s32 @!p0 $0xC  }
0x60: {  	_ =	swait.ge @!p0 [sflag:s0], $0x80  }
0x61: {  	[sflag:s0] =	ssyncset.done @!p0 $0x0  }
0x62: {  	s1 =	sadd.s32 $0x80, s31;
	[sflag:s0] =	ssyncadd.s32 @!p0 $0xFFFFFF80  }
0x63: {  	[tilespmem:s22], [sflag:$0x2] =	stream.indirect.gather [hbm4b:s5+s20], $0x40, s1, s20, $0xb8;
	[tilespmem:$0x1BD00] =	vst v63  }
0x64: {  	v60 =	vld [tilespmem:s31+$0x2880];
	_ =	sdelay $0x7  }
0x65: {  	v0 =	vld.idx.msk [tilespmem:v60+s19+$0x0], $0xffff;
	_ =	sdelay $0x4  }
0x66: {  	[tilespmem:$0x11880] =	vst v0  }
0x67: {  	v0 =	vld [tilespmem:s31+$0x2890];
	_ =	sdelay $0x7  }
0x68: {  	v0 =	vld.idx.msk [tilespmem:v0+s19+$0x0], $0xffff;
	_ =	sdelay $0x4  }
0x69: {  	[tilespmem:$0x11890] =	vst v0  }
0x6a: {  	v0 =	vld [tilespmem:s31+$0x28A0];
	_ =	sdelay $0x7  }
0x6b: {  	v0 =	vld.idx.msk [tilespmem:v0+s19+$0x0], $0xffff;
	_ =	sdelay $0x4  }
0x6c: {  	[tilespmem:$0x118A0] =	vst v0  }
0x6d: {  	v0 =	vld [tilespmem:s31+$0x28B0];
	_ =	sdelay $0x7  }
0x6e: {  	v0 =	vld.idx.msk [tilespmem:v0+s19+$0x0], $0xffff;
	_ =	sdelay $0x4  }
0x6f: {  	[tilespmem:$0x118B0] =	vst v0  }
0x70: {  	v0 =	vld [tilespmem:s31+$0x28C0];
	_ =	sdelay $0x7  }
0x71: {  	v0 =	vld.idx.msk [tilespmem:v0+s19+$0x0], $0xffff;
	_ =	sdelay $0x4  }
0x72: {  	[tilespmem:$0x118C0] =	vst v0  }
0x73: {  	v0 =	vld [tilespmem:s31+$0x28D0];
	_ =	sdelay $0x7  }
0x74: {  	v0 =	vld.idx.msk [tilespmem:v0+s19+$0x0], $0xffff;
	_ =	sdelay $0x4  }
0x75: {  	[tilespmem:$0x118D0] =	vst v0  }
0x76: {  	v0 =	vld [tilespmem:s31+$0x28E0];
	_ =	sdelay $0x7  }
0x77: {  	v0 =	vld.idx.msk [tilespmem:v0+s19+$0x0], $0xffff;
	_ =	sdelay $0x4  }
0x78: {  	[tilespmem:$0x118E0] =	vst v0  }
0x79: {  	v0 =	vld [tilespmem:s31+$0x28F0];
	_ =	sdelay $0x7  }
0x7a: {  	v0 =	vld.idx.msk [tilespmem:v0+s19+$0x0], $0xffff;
	_ =	sdelay $0x4  }
0x7b: {  	s18 =	rddreg [dreg:$0x5];
	[tilespmem:$0x118F0] =	vst v0  }
0x7c: {  	[spmem:s3] =	stream.indirect.scatter.add.f32 [tilespmem:s18], [sflag:$0xC], $0x1, s1, s20, $0xb8;
	[tilespmem:$0x1BD00] =	vst v63  }
0x7d: {  	_ =	swait.ge [sflag:s23], $0x2000  }
0x7e: {  	[sflag:s23] =	ssyncset.done $0x0  }
0x7f: {  	s0 =	simm.s32 @!p0 $0x8;
	s18 =	sadd.s32 $0x2800, s31;
	[sflag:s23] =	ssyncadd.s32 $0xFFFFE000  }
0x80: {  	[spmem:s2] =	stream.indirect.scatter.add.f32 [tilespmem:s21], [sflag:$0x6], $0x40, s18, s20, $0xb8;
	[tilespmem:$0x1BD00] =	vst v63  }
0x81: {  	_ =	swait.ge @!p0 [sflag:s0], $0x2000  }
0x82: {  	[sflag:s0] =	ssyncset.done @!p0 $0x0  }
0x83: {  	[sflag:s0] =	ssyncadd.s32 @!p0 $0xFFFFE000;
	s0 =	simm.s32 @!p0 $0xD  }
0x84: {  	_ =	swait.ge @!p0 [sflag:s0], $0x80  }
0x85: {  	[sflag:s0] =	ssyncset.done @!p0 $0x0  }
0x86: {  	s1 =	sadd.s32 $0x100, s31;
	[sflag:s0] =	ssyncadd.s32 @!p0 $0xFFFFFF80  }
0x87: {  	[tilespmem:s24], [sflag:$0x3] =	stream.indirect.gather [hbm4b:s5+s20], $0x40, s1, s20, $0xb8;
	[tilespmem:$0x1BD00] =	vst v63  }
0x88: {  	v61 =	vld [tilespmem:s31+$0x2900];
	_ =	sdelay $0x7  }
0x89: {  	v0 =	vld.idx.msk [tilespmem:v61+s19+$0x0], $0xffff;
	_ =	sdelay $0x4  }
0x8a: {  	[tilespmem:$0x11900] =	vst v0  }
0x8b: {  	v0 =	vld [tilespmem:s31+$0x2910];
	_ =	sdelay $0x7  }
0x8c: {  	v0 =	vld.idx.msk [tilespmem:v0+s19+$0x0], $0xffff;
	_ =	sdelay $0x4  }
0x8d: {  	[tilespmem:$0x11910] =	vst v0  }
0x8e: {  	v0 =	vld [tilespmem:s31+$0x2920];
	_ =	sdelay $0x7  }
0x8f: {  	v0 =	vld.idx.msk [tilespmem:v0+s19+$0x0], $0xffff;
	_ =	sdelay $0x4  }
0x90: {  	[tilespmem:$0x11920] =	vst v0  }
0x91: {  	v0 =	vld [tilespmem:s31+$0x2930];
	_ =	sdelay $0x7  }
0x92: {  	v0 =	vld.idx.msk [tilespmem:v0+s19+$0x0], $0xffff;
	_ =	sdelay $0x4  }
0x93: {  	[tilespmem:$0x11930] =	vst v0  }
0x94: {  	v0 =	vld [tilespmem:s31+$0x2940];
	_ =	sdelay $0x7  }
0x95: {  	v0 =	vld.idx.msk [tilespmem:v0+s19+$0x0], $0xffff;
	_ =	sdelay $0x4  }
0x96: {  	[tilespmem:$0x11940] =	vst v0  }
0x97: {  	v0 =	vld [tilespmem:s31+$0x2950];
	_ =	sdelay $0x7  }
0x98: {  	v0 =	vld.idx.msk [tilespmem:v0+s19+$0x0], $0xffff;
	_ =	sdelay $0x4  }
0x99: {  	[tilespmem:$0x11950] =	vst v0  }
0x9a: {  	v0 =	vld [tilespmem:s31+$0x2960];
	_ =	sdelay $0x7  }
0x9b: {  	v0 =	vld.idx.msk [tilespmem:v0+s19+$0x0], $0xffff;
	_ =	sdelay $0x4  }
0x9c: {  	[tilespmem:$0x11960] =	vst v0  }
0x9d: {  	v0 =	vld [tilespmem:s31+$0x2970];
	_ =	sdelay $0x7  }
0x9e: {  	v0 =	vld.idx.msk [tilespmem:v0+s19+$0x0], $0xffff;
	_ =	sdelay $0x4  }
0x9f: {  	s18 =	rddreg [dreg:$0x6];
	[tilespmem:$0x11970] =	vst v0  }
0xa0: {  	[spmem:s3] =	stream.indirect.scatter.add.f32 [tilespmem:s18], [sflag:$0xD], $0x1, s1, s20, $0xb8;
	[tilespmem:$0x1BD00] =	vst v63  }
0xa1: {  	_ =	swait.ge [sflag:s25], $0x2000  }
0xa2: {  	[sflag:s25] =	ssyncset.done $0x0  }
0xa3: {  	s0 =	simm.s32 @!p0 $0x9;
	s18 =	sadd.s32 $0x2880, s31;
	[sflag:s25] =	ssyncadd.s32 $0xFFFFE000  }
0xa4: {  	[spmem:s2] =	stream.indirect.scatter.add.f32 [tilespmem:s22], [sflag:$0x7], $0x40, s18, s20, $0xb8;
	[tilespmem:$0x1BD00] =	vst v63  }
0xa5: {  	_ =	swait.ge @!p0 [sflag:s0], $0x2000  }
0xa6: {  	[sflag:s0] =	ssyncset.done @!p0 $0x0  }
0xa7: {  	[sflag:s0] =	ssyncadd.s32 @!p0 $0xFFFFE000;
	s0 =	simm.s32 @!p0 $0xE  }
0xa8: {  	_ =	swait.ge @!p0 [sflag:s0], $0x80  }
0xa9: {  	[sflag:s0] =	ssyncset.done @!p0 $0x0  }
0xaa: {  	s1 =	sadd.s32 $0x180, s31;
	[sflag:s0] =	ssyncadd.s32 @!p0 $0xFFFFFF80  }
0xab: {  	[tilespmem:s26], [sflag:$0x4] =	stream.indirect.gather [hbm4b:s5+s20], $0x40, s1, s20, $0xb8;
	[tilespmem:$0x1BD00] =	vst v63  }
0xac: {  	v62 =	vld [tilespmem:s31+$0x2980];
	_ =	sdelay $0x7  }
0xad: {  	v0 =	vld.idx.msk [tilespmem:v62+s19+$0x0], $0xffff;
	_ =	sdelay $0x4  }
0xae: {  	[tilespmem:$0x11980] =	vst v0  }
0xaf: {  	v0 =	vld [tilespmem:s31+$0x2990];
	_ =	sdelay $0x7  }
0xb0: {  	v0 =	vld.idx.msk [tilespmem:v0+s19+$0x0], $0xffff;
	_ =	sdelay $0x4  }
0xb1: {  	[tilespmem:$0x11990] =	vst v0  }
0xb2: {  	v0 =	vld [tilespmem:s31+$0x29A0];
	_ =	sdelay $0x7  }
0xb3: {  	v0 =	vld.idx.msk [tilespmem:v0+s19+$0x0], $0xffff;
	_ =	sdelay $0x4  }
0xb4: {  	[tilespmem:$0x119A0] =	vst v0  }
0xb5: {  	v0 =	vld [tilespmem:s31+$0x29B0];
	_ =	sdelay $0x7  }
0xb6: {  	v0 =	vld.idx.msk [tilespmem:v0+s19+$0x0], $0xffff;
	_ =	sdelay $0x4  }
0xb7: {  	[tilespmem:$0x119B0] =	vst v0  }
0xb8: {  	v0 =	vld [tilespmem:s31+$0x29C0];
	_ =	sdelay $0x7  }
0xb9: {  	v0 =	vld.idx.msk [tilespmem:v0+s19+$0x0], $0xffff;
	_ =	sdelay $0x4  }
0xba: {  	[tilespmem:$0x119C0] =	vst v0  }
0xbb: {  	v0 =	vld [tilespmem:s31+$0x29D0];
	_ =	sdelay $0x7  }
0xbc: {  	v0 =	vld.idx.msk [tilespmem:v0+s19+$0x0], $0xffff;
	_ =	sdelay $0x4  }
0xbd: {  	[tilespmem:$0x119D0] =	vst v0  }
0xbe: {  	v0 =	vld [tilespmem:s31+$0x29E0];
	_ =	sdelay $0x7  }
0xbf: {  	v0 =	vld.idx.msk [tilespmem:v0+s19+$0x0], $0xffff;
	_ =	sdelay $0x4  }
0xc0: {  	[tilespmem:$0x119E0] =	vst v0  }
0xc1: {  	v0 =	vld [tilespmem:s31+$0x29F0];
	_ =	sdelay $0x7  }
0xc2: {  	v0 =	vld.idx.msk [tilespmem:v0+s19+$0x0], $0xffff;
	_ =	sdelay $0x4  }
0xc3: {  	s18 =	rddreg [dreg:$0x7];
	[tilespmem:$0x119F0] =	vst v0  }
0xc4: {  	[spmem:s3] =	stream.indirect.scatter.add.f32 [tilespmem:s18], [sflag:$0xE], $0x1, s1, s20, $0xb8;
	[tilespmem:$0x1BD00] =	vst v63  }
0xc5: {  	_ =	swait.ge [sflag:s28], $0x2000  }
0xc6: {  	[sflag:s28] =	ssyncset.done $0x0  }
0xc7: {  	s0 =	simm.s32 @!p0 $0xA;
	s18 =	sadd.s32 $0x2900, s31;
	[sflag:s28] =	ssyncadd.s32 $0xFFFFE000  }
0xc8: {  	[spmem:s2] =	stream.indirect.scatter.add.f32 [tilespmem:s24], [sflag:$0x8], $0x40, s18, s20, $0xb8;
	[tilespmem:$0x1BD00] =	vst v63  }
0xc9: {  	_ =	swait.ge @!p0 [sflag:s0], $0x2000  }
0xca: {  	[sflag:s0] =	ssyncset.done @!p0 $0x0  }
0xcb: {  	[sflag:s0] =	ssyncadd.s32 @!p0 $0xFFFFE000;
	s0 =	simm.s32 @!p0 $0xF  }
0xcc: {  	_ =	swait.ge @!p0 [sflag:s0], $0x80  }
0xcd: {  	[sflag:s0] =	ssyncset.done @!p0 $0x0  }
0xce: {  	s1 =	sadd.s32 $0x200, s31;
	[sflag:s0] =	ssyncadd.s32 @!p0 $0xFFFFFF80  }
0xcf: {  	[tilespmem:s29], [sflag:$0x5] =	stream.indirect.gather [hbm4b:s5+s20], $0x40, s1, s20, $0xb8;
	[tilespmem:$0x1BD00] =	vst v63  }
0xd0: {  	v63 =	vld [tilespmem:s31+$0x2A00];
	_ =	sdelay $0x7  }
0xd1: {  	v0 =	vld.idx.msk [tilespmem:v63+s19+$0x0], $0xffff;
	_ =	sdelay $0x4  }
0xd2: {  	[tilespmem:$0x11A00] =	vst v0  }
0xd3: {  	v0 =	vld [tilespmem:s31+$0x2A10];
	_ =	sdelay $0x7  }
0xd4: {  	v0 =	vld.idx.msk [tilespmem:v0+s19+$0x0], $0xffff;
	_ =	sdelay $0x4  }
0xd5: {  	[tilespmem:$0x11A10] =	vst v0  }
0xd6: {  	v0 =	vld [tilespmem:s31+$0x2A20];
	_ =	sdelay $0x7  }
0xd7: {  	v0 =	vld.idx.msk [tilespmem:v0+s19+$0x0], $0xffff;
	_ =	sdelay $0x4  }
0xd8: {  	[tilespmem:$0x11A20] =	vst v0  }
0xd9: {  	v0 =	vld [tilespmem:s31+$0x2A30];
	_ =	sdelay $0x7  }
0xda: {  	v0 =	vld.idx.msk [tilespmem:v0+s19+$0x0], $0xffff;
	_ =	sdelay $0x4  }
0xdb: {  	[tilespmem:$0x11A30] =	vst v0  }
0xdc: {  	v0 =	vld [tilespmem:s31+$0x2A40];
	_ =	sdelay $0x7  }
0xdd: {  	v0 =	vld.idx.msk [tilespmem:v0+s19+$0x0], $0xffff;
	_ =	sdelay $0x4  }
0xde: {  	[tilespmem:$0x11A40] =	vst v0  }
0xdf: {  	v0 =	vld [tilespmem:s31+$0x2A50];
	_ =	sdelay $0x7  }
0xe0: {  	v0 =	vld.idx.msk [tilespmem:v0+s19+$0x0], $0xffff;
	_ =	sdelay $0x4  }
0xe1: {  	[tilespmem:$0x11A50] =	vst v0  }
0xe2: {  	v0 =	vld [tilespmem:s31+$0x2A60];
	_ =	sdelay $0x7  }
0xe3: {  	v0 =	vld.idx.msk [tilespmem:v0+s19+$0x0], $0xffff;
	_ =	sdelay $0x4  }
0xe4: {  	[tilespmem:$0x11A60] =	vst v0  }
0xe5: {  	v0 =	vld [tilespmem:s31+$0x2A70];
	_ =	sdelay $0x7  }
0xe6: {  	v0 =	vld.idx.msk [tilespmem:v0+s19+$0x0], $0xffff;
	_ =	sdelay $0x3  }
0xe7: {  	s4 =	sadd.s32 $0xA00, s4  }
0xe8: {  	s18 =	rddreg [dreg:$0x8];
	p0 =	sne.s32 s4, $0xA000;
	[tilespmem:$0x11A70] =	vst v0  }
0xe9: {  	[spmem:s3] =	stream.indirect.scatter.add.f32 [tilespmem:s18], [sflag:$0xF], $0x1, s1, s20, $0xb8;
	[tilespmem:$0x1BD00] =	vst v63  }
.Ltmp0:
0xea: {  	_ = 	snop;
	(pc) =	sbr.rel @p0 .LBB2_2-.Ltmp0, $4  }
0xeb: {  	_ =	swait.ge [sflag:s30], $0x2000  }
0xec: {  	[sflag:s30] =	ssyncset.done $0x0  }
0xed: {  	s31 =	sadd.s32 $0x2980, s31;
	[sflag:s30] =	ssyncadd.s32 $0xFFFFE000  }
0xee: {  	[spmem:s2] =	stream.indirect.scatter.add.f32 [tilespmem:s26], [sflag:$0x9], $0x40, s31, s20, $0xb8;
	[tilespmem:$0x1BD00] =	vst v63  }
0xef: {  	s0 =	simm.s32 $0x5  }
0xf0: {  	_ =	swait.ge [sflag:s0], $0x2000  }
0xf1: {  	[sflag:s0] =	ssyncset.done $0x0  }
0xf2: {  	s4 =	simm.s32 $0x4F80;
	s18 =	simm.s32 $0x6;
	[sflag:s0] =	ssyncadd.s32 $0xFFFFE000  }
0xf3: {  	[spmem:s2] =	stream.indirect.scatter.add.f32 [tilespmem:s29], [sflag:$0xA], $0x40, s4, s20, $0xb8;
	[tilespmem:$0x1BD00] =	vst v63  }
0xf4: {  	_ =	swait.ge [sflag:s18], $0x2000  }
0xf5: {  	[sflag:s18] =	ssyncset.done $0x0  }
0xf6: {  	s31 =	simm.s32 $0xB;
	[sflag:s18] =	ssyncadd.s32 $0xFFFFE000  }
0xf7: {  	_ =	swait.ge [sflag:s31], $0x80  }
0xf8: {  	[sflag:s31] =	ssyncset.done $0x0  }
0xf9: {  	s1 =	simm.s32 $0x7;
	[sflag:s31] =	ssyncadd.s32 $0xFFFFFF80  }
0xfa: {  	_ =	swait.ge [sflag:s1], $0x2000  }
0xfb: {  	[sflag:s1] =	ssyncset.done $0x0  }
0xfc: {  	[sflag:s1] =	ssyncadd.s32 $0xFFFFE000  }
0xfd: {  	_ =	swait.ge [sflag:s6], $0x80  }
0xfe: {  	[sflag:s6] =	ssyncset.done $0x0  }
0xff: {  	[sflag:s6] =	ssyncadd.s32 $0xFFFFFF80  }
0x100: {  	_ =	swait.ge [sflag:s7], $0x2000  }
0x101: {  	[sflag:s7] =	ssyncset.done $0x0  }
0x102: {  	[sflag:s7] =	ssyncadd.s32 $0xFFFFE000  }
0x103: {  	_ =	swait.ge [sflag:s9], $0x80  }
0x104: {  	[sflag:s9] =	ssyncset.done $0x0  }
0x105: {  	[sflag:s9] =	ssyncadd.s32 $0xFFFFFF80  }
0x106: {  	_ =	swait.ge [sflag:s10], $0x2000  }
0x107: {  	[sflag:s10] =	ssyncset.done $0x0  }
0x108: {  	[sflag:s10] =	ssyncadd.s32 $0xFFFFE000  }
0x109: {  	_ =	swait.ge [sflag:s11], $0x80  }
0x10a: {  	[sflag:s11] =	ssyncset.done $0x0  }
0x10b: {  	[sflag:s11] =	ssyncadd.s32 $0xFFFFFF80  }
0x10c: {  	_ =	swait.ge [sflag:s12], $0x2000  }
0x10d: {  	[sflag:s12] =	ssyncset.done $0x0  }
0x10e: {  	[sflag:s12] =	ssyncadd.s32 $0xFFFFE000  }
0x10f: {  	_ =	swait.ge [sflag:s13], $0x80  }
0x110: {  	[sflag:s13] =	ssyncset.done $0x0  }
0x111: {  	[sflag:s13] =	ssyncadd.s32 $0xFFFFFF80  }
0x112: {  	[bflag:$0x0] =	sbarrier.arrive $0xFFFF  }
0x113: {  	s4 =	rddreg [dreg:$0xe]  }
0x114: {  	[hbm:s4], [sflag:s8] =	dma.local [spmem:s15], $0x1400  }
0x115: {  	_ =	swait.ge [sflag:s16], $0x1400  }
0x116: {  	[sflag:s16] =	ssyncset.done $0x0  }
0x117: {  	s18 =	rddreg [dreg:$0xf];
	[sflag:s16] =	ssyncadd.s32 $0xFFFFEC00  }
0x118: {  	[hbm:s18], [sflag:s8] =	dma.local [spmem:s17], $0x50  }
0x119: {  	_ =	swait.ge [sflag:s16], $0x50  }
0x11a: {  	s14 =	sadd.s32 $0x1, s14;
	s31 =	rddreg [dreg:$0x10]  }
0x11b: {  	p0 =	sne.s32 s14, s31  }
.Ltmp1:
0x11c: {  	_ = 	snop;
	(pc) =	sbr.rel @p0 .LBB2_1-.Ltmp1, $3  }
0x11d: {  	_ =	sdelay $0x1  }
0x11e: {  	[sflag:s16] =	ssyncset.done $0x0  }
0x11f: {  	[sflag:s16] =	ssyncadd.s32 $0xFFFFFFB0  }
0x120: {  	_ =	sfence.sel $0x180000  }
0x121: {  	[bflag:$0x0] =	sbarrier.arrive $0xFFFF  }
0x122: {  	_ =	strace $0x9000004A  }
0x123: {  	s0 =	stileid.u32;
	[bflag:$0x2] =	sbarrier.arrive $0xFFFF  }
0x124: {  	p0 =	sne.s32 s0, $0x0;
	s0 =	rddreg [dreg:$0x3]  }
0x125: {  	s0 =	sadd.s32 @!p0 $0x100000, s0  }
0x126: {  	[sflag:s0] =	ssyncadd.tile.s32 @!p0 $0x1;
	_ =	shalt  }
.Lfunc_end2:
_tile_overlayer_lowered:
.L_overlay_start_2:
0x127: {  	(tag) =	ssettag $0x2  }
0x128: {  	s0 =	rddreg [dreg:$0x0];
	s2 =	stileid.u32  }
0x129: {  	s1 =	rddreg [dreg:$0x1];
	p0 =	sne.s32 s2, $0x0  }
0x12a: {  	s3 =	rddreg [dreg:$0x2];
	[bflag:$0x3] =	sbarrier.arrive $0xFFFF;
	s2 =	simm.s32 @!p0 $0x1C10  }
0x12b: {  	[timem:s3], [sflag:s2] =	dma.local @!p0 [hbm:s0], s1  }
0x12c: {  	s0 =	simm.s32 @!p0 $0x10  }
0x12d: {  	_ =	swait.ge @!p0 [sflag:s0], s1  }
0x12e: {  	s1 =	ssub.s32 @!p0 $0x0, s1;
	[sflag:s0] =	ssyncset.done @!p0 $0x0  }
0x12f: {  	[sflag:s0] =	ssyncadd.s32 @!p0 s1  }
0x130: {  	[bflag:$0x3] =	sbarrier.arrive $0xFFFF  }
0x131: {  	_ =	shalt  }

</sc_bundles>
